<compile_context>
chip_gen: v7x
topology: tpu7x:2x2x1
jax: 0.10.2.dev20260603
libtpu: 0.0.44.dev20260713+nightly
codegen_flags: <defaults>
</compile_context>

<pallas_src>
import functools

import jax
import jax.numpy as jnp
from jax import lax
from jax.experimental import pallas as pl
from jax.experimental.pallas import tpu as pltpu
from jax.experimental.pallas import tpu_sc as plsc

N = 10000
E = 320000
D = 128
CW = 32

NC = 2
NS = 16
NW = NC * NS
EPW = E // NW
K = 80
NCHUNK = EPW // K
NP = 10112
RPS = NP // NS

_MESH = dict(core_axis_name="c", subcore_axis_name="s", num_cores=NC,
             num_subcores=NS)


def _sc_segment_sum(src, dst, x, z2d):
  @functools.partial(
      pl.kernel,
      mesh=plsc.VectorSubcoreMesh(**_MESH),
      out_type=jax.ShapeDtypeStruct((NC * NP, D), jnp.float32),
      scratch_types=[
          pltpu.VMEM_SHARED((NP, D), jnp.float32),
          pltpu.VMEM((K,), jnp.int32),
          pltpu.VMEM((K,), jnp.int32),
          pltpu.VMEM((K,), jnp.int32),
          pltpu.VMEM((K,), jnp.int32),
          pltpu.VMEM((K,), jnp.int32),
          pltpu.VMEM((K,), jnp.int32),
          pltpu.VMEM((K, D), jnp.float32),
          pltpu.VMEM((K, D), jnp.float32),
          pltpu.VMEM((K, D), jnp.float32),
          pltpu.SemaphoreType.DMA,
          pltpu.SemaphoreType.DMA,
          pltpu.SemaphoreType.DMA,
          pltpu.SemaphoreType.DMA,
          pltpu.SemaphoreType.DMA,
          pltpu.SemaphoreType.DMA,
      ],
  )
  def body(src_hbm, dst_hbm, x_hbm, z2d_hbm, sum_out, acc_sh,
           sb0, sb1, sb2, db0, db1, db2, r0, r1, r2,
           si0, si1, si2, sg0, sg1, sg2):
    c = lax.axis_index("c")
    s = lax.axis_index("s")
    wid = s * NC + c
    sb = (sb0, sb1, sb2)
    db = (db0, db1, db2)
    rows = (r0, r1, r2)
    si = (si0, si1, si2)
    sg = (sg0, sg1, sg2)

    srow0 = pl.multiple_of(s * RPS, 8)
    row0 = pl.multiple_of(c * NP + s * RPS, 8)
    base = pl.multiple_of(wid * EPW, 8)
    pltpu.sync_copy(z2d_hbm, acc_sh.at[pl.ds(srow0, RPS), :])
    plsc.subcore_barrier()

    def sslice(j):
      return src_hbm.at[pl.ds(base + j * K, K)]

    def dslice(j):
      return dst_hbm.at[pl.ds(base + j * K, K)]

    def start_idx(j, r):
      pltpu.async_copy(sslice(j), sb[r], si[r])
      pltpu.async_copy(dslice(j), db[r], si[r])

    def wait_idx(j, r):
      pltpu.make_async_copy(sslice(j), sb[r], si[r]).wait()
      pltpu.make_async_copy(dslice(j), db[r], si[r]).wait()

    def start_gather(r):
      pltpu.async_copy(x_hbm.at[sb[r]], rows[r], sg[r])

    def wait_gather(r):
      pltpu.make_async_copy(x_hbm.at[sb[r]], rows[r], sg[r]).wait()

    def scatter(r):
      pltpu.sync_copy(rows[r], acc_sh.at[db[r]], add=True)

    start_idx(0, 0)
    start_idx(1, 1)
    start_idx(2, 2)
    wait_idx(0, 0)
    start_gather(0)
    wait_idx(1, 1)
    start_gather(1)

    def group(p, carry):
      j0 = 3 * p
      for i in range(3):
        r = i
        r2 = (i + 2) % 3
        wait_gather(r)
        scatter(r)
        start_idx(j0 + i + 3, r)
        wait_idx(j0 + i + 2, r2)
        start_gather(r2)
      return carry

    lax.fori_loop(0, (NCHUNK - 5) // 3, group, 0)

    jb = NCHUNK - 5
    for i in range(5):
      j = jb + i
      r = j % 3
      wait_gather(r)
      scatter(r)
      if j + 3 <= NCHUNK - 1:
        start_idx(j + 3, r)
      if j + 2 <= NCHUNK - 1:
        r2 = (j + 2) % 3
        wait_idx(j + 2, r2)
        start_gather(r2)
    plsc.subcore_barrier()

    pltpu.sync_copy(acc_sh.at[pl.ds(srow0, RPS), :],
                    sum_out.at[pl.ds(row0, RPS), :])

  return body(src, dst, x, z2d)


CCW = 8


def _sc_degree(dst, zc, ones_h, dep):
  @functools.partial(
      pl.kernel,
      mesh=plsc.VectorSubcoreMesh(**_MESH),
      out_type=jax.ShapeDtypeStruct((NC * NP, D), jnp.float32),
      scratch_types=[
          pltpu.VMEM_SHARED((NP, D), jnp.float32),
          pltpu.VMEM((K,), jnp.int32),
          pltpu.VMEM((K,), jnp.int32),
          pltpu.VMEM((K, D), jnp.float32),
          pltpu.SemaphoreType.DMA,
          pltpu.SemaphoreType.DMA,
      ],
  )
  def body(dst_hbm, zc_hbm, ones_hbm, dep_hbm, cnt_out, cnt_sh, dstb0,
           dstb1, ones_v, sd0, sd1):
    c = lax.axis_index("c")
    s = lax.axis_index("s")
    wid = s * NC + c

    srow0 = pl.multiple_of(s * RPS, 8)
    row0 = pl.multiple_of(c * NP + s * RPS, 8)
    base = pl.multiple_of(wid * EPW, 8)
    pltpu.sync_copy(zc_hbm, cnt_sh.at[pl.ds(srow0, RPS), :])
    pltpu.sync_copy(ones_hbm, ones_v)
    plsc.subcore_barrier()

    def dslice(j):
      return dst_hbm.at[pl.ds(base + j * K, K)]

    pltpu.async_copy(dslice(0), dstb0, sd0)

    def pair(p, carry):
      j0 = 2 * p
      dd1 = pltpu.async_copy(dslice(j0 + 1), dstb1, sd1)
      pltpu.make_async_copy(dslice(j0), dstb0, sd0).wait()
      pltpu.sync_copy(ones_v, cnt_sh.at[dstb0], add=True)
      pltpu.async_copy(dslice(j0 + 2), dstb0, sd0)
      dd1.wait()
      pltpu.sync_copy(ones_v, cnt_sh.at[dstb1], add=True)
      return carry

    lax.fori_loop(0, (NCHUNK - 1) // 2, pair, 0)
    pltpu.make_async_copy(dslice(NCHUNK - 1), dstb0, sd0).wait()
    pltpu.sync_copy(ones_v, cnt_sh.at[dstb0], add=True)
    plsc.subcore_barrier()

    pltpu.sync_copy(cnt_sh.at[pl.ds(srow0, RPS), :],
                    cnt_out.at[pl.ds(row0, RPS), :])

  return body(dst, zc, ones_h, dep)


def _tc_sage(x, sum_parts, cnt_parts, w1t, w2t, b2):
  R = 1000

  def body(x_ref, sp_ref, cp_ref, w1_ref, w2_ref, b_ref, o_ref):
    xb = x_ref[...]
    summed = sp_ref[0] + sp_ref[1]
    cnt = cp_ref[0, :, 0:1] + cp_ref[1, :, 0:1]
    mean = summed / jnp.maximum(cnt, 1.0)
    agg = jnp.where(cnt > 0.0, mean, xb)
    h = (jnp.dot(xb, w1_ref[...], preferred_element_type=jnp.float32)
         + jnp.dot(agg, w2_ref[...], preferred_element_type=jnp.float32)
         + b_ref[...])
    o_ref[...] = jnp.maximum(h, 0.0)

  return pl.pallas_call(
      body,
      grid=(N // R,),
      in_specs=[
          pl.BlockSpec((R, D), lambda i: (i, 0)),
          pl.BlockSpec((NC, R, D), lambda i: (0, i, 0)),
          pl.BlockSpec((NC, R, D), lambda i: (0, i, 0)),
          pl.BlockSpec((D, D), lambda i: (0, 0)),
          pl.BlockSpec((D, D), lambda i: (0, 0)),
          pl.BlockSpec((1, D), lambda i: (0, 0)),
      ],
      out_specs=pl.BlockSpec((R, D), lambda i: (i, 0)),
      out_shape=jax.ShapeDtypeStruct((N, D), jnp.float32),
  )(x, sum_parts, cnt_parts, w1t, w2t, b2)


def kernel(x, edge_index, W, b):
  src = edge_index[0].astype(jnp.int32)
  dst = edge_index[1].astype(jnp.int32)
  z2d = jnp.zeros((RPS, D), jnp.float32)
  sum_flat = _sc_segment_sum(src, dst, x, z2d)
  ones2d = jnp.ones((K, D), jnp.float32)
  cnt_flat = _sc_degree(dst, z2d, ones2d, sum_flat)
  sum_parts = sum_flat.reshape(NC, NP, D)
  cnt_parts = cnt_flat.reshape(NC, NP, D)
  w1t = W[:, :D].T
  w2t = W[:, D:].T
  b2 = b[None, :]
  return _tc_sage(x, sum_parts, cnt_parts, w1t, w2t, b2)

# --- scband reference (transcript-rebuilt; emitter-appended) ---
"""Pipeline reference for scband-graph-sagelayer-65635690218034 (READ-ONLY COPY).

The authoritative reference and input builder live on the scoring server;
editing this copy changes nothing except your own understanding.
"""

import jax, jax.numpy as jnp
import numpy as np

N_NODES = 10000
N_EDGES = 320000
D_IN = 128
D_OUT = 128


def setup_inputs(seed: int = 0) -> dict:
    key = jax.random.key(seed)
    k_x, k_e, k_w, k_b = jax.random.split(key, 4)
    x = jax.random.normal(k_x, (N_NODES, D_IN), dtype=jnp.float32)
    edge_index = jax.random.randint(k_e, (2, N_EDGES), 0, N_NODES, dtype=jnp.int64)
    # nn.Linear(in_dim*2, out_dim): weight [out, in*2], bias [out]
    bound = 1.0 / np.sqrt(2 * D_IN)
    W = jax.random.uniform(k_w, (D_OUT, 2 * D_IN), minval=-bound, maxval=bound, dtype=jnp.float32)
    b = jax.random.uniform(k_b, (D_OUT,), minval=-bound, maxval=bound, dtype=jnp.float32)
    return {"x": x, "edge_index": edge_index, "W": W, "b": b}


def reference(x, edge_index, W, b):
    # Faithful translation of the python-loop aggregation:
    #   agg[i] = mean(x[neighbors(i)]) if deg(i)>0 else x[i]
    # adj[i] corresponds to edges with dst == i, neighbors are src nodes.
    src = edge_index[0]
    dst = edge_index[1]
    n = x.shape[0]
    gathered = jnp.take(x, src, axis=0)                      # gather neighbor feats
    summed = jax.ops.segment_sum(gathered, dst, num_segments=n)  # scatter-add
    counts = jax.ops.segment_sum(jnp.ones((src.shape[0],), dtype=x.dtype), dst, num_segments=n)
    mean = summed / jnp.maximum(counts, 1.0)[:, None]
    agg = jnp.where((counts > 0)[:, None], mean, x)          # isolated nodes keep x[i]
    h = jnp.concatenate([x, agg], axis=1)
    return jax.nn.relu(h @ W.T + b)

if __name__ == "__main__":
    import jax
    _d = setup_inputs()
    print(jax.jit(kernel)(*tuple(_d.values())))

</pallas_src>

<mosaic_0001>
#map = affine_map<(d0, d1) -> (0)>
#map1 = affine_map<(d0, d1) -> (0, 0)>
module attributes {stable_mosaic.version = 14 : i64} {
  func.func @body(%arg0: i32, %arg1: i32, %arg2: memref<320000xi32, #tpu.memory_space<hbm>>, %arg3: memref<320000xi32, #tpu.memory_space<hbm>>, %arg4: memref<10000x128xf32, #tpu.memory_space<hbm>>, %arg5: memref<632x128xf32, #tpu.memory_space<hbm>>, %arg6: memref<20224x128xf32, #tpu.memory_space<hbm>>, %arg7: memref<10112x128xf32, #tpu.memory_space<vmem_shared>>, %arg8: memref<80xi32, #tpu.memory_space<vmem>>, %arg9: memref<80xi32, #tpu.memory_space<vmem>>, %arg10: memref<80xi32, #tpu.memory_space<vmem>>, %arg11: memref<80xi32, #tpu.memory_space<vmem>>, %arg12: memref<80xi32, #tpu.memory_space<vmem>>, %arg13: memref<80xi32, #tpu.memory_space<vmem>>, %arg14: memref<80x128xf32, #tpu.memory_space<vmem>>, %arg15: memref<80x128xf32, #tpu.memory_space<vmem>>, %arg16: memref<80x128xf32, #tpu.memory_space<vmem>>, %arg17: memref<!tpu.dma_semaphore, #tpu.memory_space<semaphore_mem>>, %arg18: memref<!tpu.dma_semaphore, #tpu.memory_space<semaphore_mem>>, %arg19: memref<!tpu.dma_semaphore, #tpu.memory_space<semaphore_mem>>, %arg20: memref<!tpu.dma_semaphore, #tpu.memory_space<semaphore_mem>>, %arg21: memref<!tpu.dma_semaphore, #tpu.memory_space<semaphore_mem>>, %arg22: memref<!tpu.dma_semaphore, #tpu.memory_space<semaphore_mem>>) attributes {dimension_semantics = [#tpu.dimension_semantics<core_parallel>, #tpu.dimension_semantics<subcore_parallel>], iteration_bounds = array<i64: 2, 16>, scalar_prefetch = 0 : i64, scratch_operands = 16 : i64, tpu.core_type = #tpu.core_type<sc_vector_subcore>, window_params = [{transform_indices = #map}, {transform_indices = #map}, {transform_indices = #map1}, {transform_indices = #map1}, {transform_indices = #map1}]} {
    %mul3A = arith.constant 2 : i32
    %mul3A_0 = arith.muli %arg1, %mul3A : i32
    %add3A = arith.addi %mul3A_0, %arg0 : i32
    %mul3A_1 = arith.constant 632 : i32
    %mul3A_2 = arith.muli %arg1, %mul3A_1 : i32
    %multiple_of3A = tpu.assume_multiple %mul3A_2, 8 : i32
    %mul3A_3 = arith.constant 10112 : i32
    %mul3A_4 = arith.muli %arg0, %mul3A_3 : i32
    %mul3A_5 = arith.constant 632 : i32
    %mul3A_6 = arith.muli %arg1, %mul3A_5 : i32
    %add3A_7 = arith.addi %mul3A_4, %mul3A_6 : i32
    %multiple_of3A_8 = tpu.assume_multiple %add3A_7, 8 : i32
    %mul3A_9 = arith.constant 10000 : i32
    %mul3A_10 = arith.muli %add3A, %mul3A_9 : i32
    %multiple_of3A_11 = tpu.assume_multiple %mul3A_10, 8 : i32
    "tpu.region"() ({
      %run_scoped3A = tpu.sem_alloc : memref<!tpu.dma_semaphore, #tpu.memory_space<semaphore_mem>>
      %dma_start3A_126 = arith.constant 0 : i32
      %dma_start3A_127 = tpu.memref_slice %arg7[%multiple_of3A, %dma_start3A_126] : memref<10112x128xf32, #tpu.memory_space<vmem_shared>> -> memref<632x128xf32, #tpu.memory_space<vmem_shared>>
      tpu.enqueue_dma source(%arg5 : memref<632x128xf32, #tpu.memory_space<hbm>>) target(%dma_start3A_127 : memref<632x128xf32, #tpu.memory_space<vmem_shared>>) target_semaphore(%run_scoped3A : memref<!tpu.dma_semaphore, #tpu.memory_space<semaphore_mem>>)
      %dma_wait3A_128 = arith.constant 0 : i32
      %dma_wait3A_129 = tpu.memref_slice %arg7[%multiple_of3A, %dma_wait3A_128] : memref<10112x128xf32, #tpu.memory_space<vmem_shared>> -> memref<632x128xf32, #tpu.memory_space<vmem_shared>>
      tpu.wait_dma2 semaphore(%run_scoped3A : memref<!tpu.dma_semaphore, #tpu.memory_space<semaphore_mem>>) src(%arg5 : memref<632x128xf32, #tpu.memory_space<hbm>>) dst(%dma_wait3A_129 : memref<632x128xf32, #tpu.memory_space<vmem_shared>>)
      tpu.yield
    }) : () -> ()
    %barrier3A = arith.constant 0 : index
    tpu.barrier barrier_id(%barrier3A)
    %add3A_12 = arith.constant 0 : i32
    %add3A_13 = arith.addi %multiple_of3A_11, %add3A_12 : i32
    %dma_start3A = tpu.memref_slice %arg2[%add3A_13] : memref<320000xi32, #tpu.memory_space<hbm>> -> memref<80xi32, #tpu.memory_space<hbm>>
    %dma_start3A_14 = tpu.memref_slice %arg2[%add3A_13] : memref<320000xi32, #tpu.memory_space<hbm>> -> memref<80xi32, #tpu.memory_space<hbm>>
    tpu.enqueue_dma source(%dma_start3A_14 : memref<80xi32, #tpu.memory_space<hbm>>) target(%arg8 : memref<80xi32, #tpu.memory_space<vmem>>) target_semaphore(%arg17 : memref<!tpu.dma_semaphore, #tpu.memory_space<semaphore_mem>>)
    %add3A_15 = arith.constant 0 : i32
    %add3A_16 = arith.addi %multiple_of3A_11, %add3A_15 : i32
    %dma_start3A_17 = tpu.memref_slice %arg3[%add3A_16] : memref<320000xi32, #tpu.memory_space<hbm>> -> memref<80xi32, #tpu.memory_space<hbm>>
    %dma_start3A_18 = tpu.memref_slice %arg3[%add3A_16] : memref<320000xi32, #tpu.memory_space<hbm>> -> memref<80xi32, #tpu.memory_space<hbm>>
    tpu.enqueue_dma source(%dma_start3A_18 : memref<80xi32, #tpu.memory_space<hbm>>) target(%arg11 : memref<80xi32, #tpu.memory_space<vmem>>) target_semaphore(%arg17 : memref<!tpu.dma_semaphore, #tpu.memory_space<semaphore_mem>>)
    %add3A_19 = arith.constant 80 : i32
    %add3A_20 = arith.addi %multiple_of3A_11, %add3A_19 : i32
    %dma_start3A_21 = tpu.memref_slice %arg2[%add3A_20] : memref<320000xi32, #tpu.memory_space<hbm>> -> memref<80xi32, #tpu.memory_space<hbm>>
    %dma_start3A_22 = tpu.memref_slice %arg2[%add3A_20] : memref<320000xi32, #tpu.memory_space<hbm>> -> memref<80xi32, #tpu.memory_space<hbm>>
    tpu.enqueue_dma source(%dma_start3A_22 : memref<80xi32, #tpu.memory_space<hbm>>) target(%arg9 : memref<80xi32, #tpu.memory_space<vmem>>) target_semaphore(%arg18 : memref<!tpu.dma_semaphore, #tpu.memory_space<semaphore_mem>>)
    %add3A_23 = arith.constant 80 : i32
    %add3A_24 = arith.addi %multiple_of3A_11, %add3A_23 : i32
    %dma_start3A_25 = tpu.memref_slice %arg3[%add3A_24] : memref<320000xi32, #tpu.memory_space<hbm>> -> memref<80xi32, #tpu.memory_space<hbm>>
    %dma_start3A_26 = tpu.memref_slice %arg3[%add3A_24] : memref<320000xi32, #tpu.memory_space<hbm>> -> memref<80xi32, #tpu.memory_space<hbm>>
    tpu.enqueue_dma source(%dma_start3A_26 : memref<80xi32, #tpu.memory_space<hbm>>) target(%arg12 : memref<80xi32, #tpu.memory_space<vmem>>) target_semaphore(%arg18 : memref<!tpu.dma_semaphore, #tpu.memory_space<semaphore_mem>>)
    %add3A_27 = arith.constant 160 : i32
    %add3A_28 = arith.addi %multiple_of3A_11, %add3A_27 : i32
    %dma_start3A_29 = tpu.memref_slice %arg2[%add3A_28] : memref<320000xi32, #tpu.memory_space<hbm>> -> memref<80xi32, #tpu.memory_space<hbm>>
    %dma_start3A_30 = tpu.memref_slice %arg2[%add3A_28] : memref<320000xi32, #tpu.memory_space<hbm>> -> memref<80xi32, #tpu.memory_space<hbm>>
    tpu.enqueue_dma source(%dma_start3A_30 : memref<80xi32, #tpu.memory_space<hbm>>) target(%arg10 : memref<80xi32, #tpu.memory_space<vmem>>) target_semaphore(%arg19 : memref<!tpu.dma_semaphore, #tpu.memory_space<semaphore_mem>>)
    %add3A_31 = arith.constant 160 : i32
    %add3A_32 = arith.addi %multiple_of3A_11, %add3A_31 : i32
    %dma_start3A_33 = tpu.memref_slice %arg3[%add3A_32] : memref<320000xi32, #tpu.memory_space<hbm>> -> memref<80xi32, #tpu.memory_space<hbm>>
    %dma_start3A_34 = tpu.memref_slice %arg3[%add3A_32] : memref<320000xi32, #tpu.memory_space<hbm>> -> memref<80xi32, #tpu.memory_space<hbm>>
    tpu.enqueue_dma source(%dma_start3A_34 : memref<80xi32, #tpu.memory_space<hbm>>) target(%arg13 : memref<80xi32, #tpu.memory_space<vmem>>) target_semaphore(%arg19 : memref<!tpu.dma_semaphore, #tpu.memory_space<semaphore_mem>>)
    %add3A_35 = arith.constant 0 : i32
    %add3A_36 = arith.addi %multiple_of3A_11, %add3A_35 : i32
    %dma_wait3A = tpu.memref_slice %arg2[%add3A_36] : memref<320000xi32, #tpu.memory_space<hbm>> -> memref<80xi32, #tpu.memory_space<hbm>>
    %dma_wait3A_37 = tpu.memref_slice %arg2[%add3A_36] : memref<320000xi32, #tpu.memory_space<hbm>> -> memref<80xi32, #tpu.memory_space<hbm>>
    tpu.wait_dma2 semaphore(%arg17 : memref<!tpu.dma_semaphore, #tpu.memory_space<semaphore_mem>>) src(%dma_wait3A_37 : memref<80xi32, #tpu.memory_space<hbm>>) dst(%arg8 : memref<80xi32, #tpu.memory_space<vmem>>)
    %add3A_38 = arith.constant 0 : i32
    %add3A_39 = arith.addi %multiple_of3A_11, %add3A_38 : i32
    %dma_wait3A_40 = tpu.memref_slice %arg3[%add3A_39] : memref<320000xi32, #tpu.memory_space<hbm>> -> memref<80xi32, #tpu.memory_space<hbm>>
    %dma_wait3A_41 = tpu.memref_slice %arg3[%add3A_39] : memref<320000xi32, #tpu.memory_space<hbm>> -> memref<80xi32, #tpu.memory_space<hbm>>
    tpu.wait_dma2 semaphore(%arg17 : memref<!tpu.dma_semaphore, #tpu.memory_space<semaphore_mem>>) src(%dma_wait3A_41 : memref<80xi32, #tpu.memory_space<hbm>>) dst(%arg11 : memref<80xi32, #tpu.memory_space<vmem>>)
    %dma_start3A_42 = arith.constant 0 : i32
    %dma_start3A_43 = arith.constant 0 : i32
    %dma_start3A_44 = tpu.memref_slice %arg4[%dma_start3A_42, %dma_start3A_43] : memref<10000x128xf32, #tpu.memory_space<hbm>> -> memref<10000x128xf32, #tpu.memory_space<hbm>>
    tpu.enqueue_indirect_dma source(%dma_start3A_44 : memref<10000x128xf32, #tpu.memory_space<hbm>>) target(%arg14 : memref<80x128xf32, #tpu.memory_space<vmem>>) offsets(%arg8 : memref<80xi32, #tpu.memory_space<vmem>>) semaphore(%arg20 : memref<!tpu.dma_semaphore, #tpu.memory_space<semaphore_mem>>)
    %add3A_45 = arith.constant 80 : i32
    %add3A_46 = arith.addi %multiple_of3A_11, %add3A_45 : i32
    %dma_wait3A_47 = tpu.memref_slice %arg2[%add3A_46] : memref<320000xi32, #tpu.memory_space<hbm>> -> memref<80xi32, #tpu.memory_space<hbm>>
    %dma_wait3A_48 = tpu.memref_slice %arg2[%add3A_46] : memref<320000xi32, #tpu.memory_space<hbm>> -> memref<80xi32, #tpu.memory_space<hbm>>
    tpu.wait_dma2 semaphore(%arg18 : memref<!tpu.dma_semaphore, #tpu.memory_space<semaphore_mem>>) src(%dma_wait3A_48 : memref<80xi32, #tpu.memory_space<hbm>>) dst(%arg9 : memref<80xi32, #tpu.memory_space<vmem>>)
    %add3A_49 = arith.constant 80 : i32
    %add3A_50 = arith.addi %multiple_of3A_11, %add3A_49 : i32
    %dma_wait3A_51 = tpu.memref_slice %arg3[%add3A_50] : memref<320000xi32, #tpu.memory_space<hbm>> -> memref<80xi32, #tpu.memory_space<hbm>>
    %dma_wait3A_52 = tpu.memref_slice %arg3[%add3A_50] : memref<320000xi32, #tpu.memory_space<hbm>> -> memref<80xi32, #tpu.memory_space<hbm>>
    tpu.wait_dma2 semaphore(%arg18 : memref<!tpu.dma_semaphore, #tpu.memory_space<semaphore_mem>>) src(%dma_wait3A_52 : memref<80xi32, #tpu.memory_space<hbm>>) dst(%arg12 : memref<80xi32, #tpu.memory_space<vmem>>)
    %dma_start3A_53 = arith.constant 0 : i32
    %dma_start3A_54 = arith.constant 0 : i32
    %dma_start3A_55 = tpu.memref_slice %arg4[%dma_start3A_53, %dma_start3A_54] : memref<10000x128xf32, #tpu.memory_space<hbm>> -> memref<10000x128xf32, #tpu.memory_space<hbm>>
    tpu.enqueue_indirect_dma source(%dma_start3A_55 : memref<10000x128xf32, #tpu.memory_space<hbm>>) target(%arg15 : memref<80x128xf32, #tpu.memory_space<vmem>>) offsets(%arg9 : memref<80xi32, #tpu.memory_space<vmem>>) semaphore(%arg21 : memref<!tpu.dma_semaphore, #tpu.memory_space<semaphore_mem>>)
    %scan3A = arith.constant 0 : i32
    %scan3A_56 = arith.constant 0 : i32
    %scan3A_57 = arith.constant 40 : i32
    %scan3A_58 = arith.addi %scan3A_56, %scan3A_57 : i32
    %scan3A_59 = arith.constant 1 : i32
    scf.for %scan3A_126 = %scan3A_56 to %scan3A_58 step %scan3A_59  : i32 {
      %mul3A_127 = arith.constant 3 : i32
      %mul3A_128 = arith.muli %mul3A_127, %scan3A_126 : i32
      %dma_wait3A_129 = arith.constant 0 : i32
      %dma_wait3A_130 = arith.constant 0 : i32
      %dma_wait3A_131 = tpu.memref_slice %arg4[%dma_wait3A_129, %dma_wait3A_130] : memref<10000x128xf32, #tpu.memory_space<hbm>> -> memref<10000x128xf32, #tpu.memory_space<hbm>>
      tpu.wait_indirect_dma semaphore(%arg20 : memref<!tpu.dma_semaphore, #tpu.memory_space<semaphore_mem>>) src(%dma_wait3A_131 : memref<10000x128xf32, #tpu.memory_space<hbm>>) dst(%arg14 : memref<80x128xf32, #tpu.memory_space<vmem>>)
      "tpu.region"() ({
        %run_scoped3A = tpu.sem_alloc : memref<!tpu.dma_semaphore, #tpu.memory_space<semaphore_mem>>
        %dma_start3A_231 = arith.constant 0 : i32
        %dma_start3A_232 = arith.constant 0 : i32
        %dma_start3A_233 = tpu.memref_slice %arg7[%dma_start3A_231, %dma_start3A_232] : memref<10112x128xf32, #tpu.memory_space<vmem_shared>> -> memref<10112x128xf32, #tpu.memory_space<vmem_shared>>
        tpu.enqueue_indirect_dma source(%arg14 : memref<80x128xf32, #tpu.memory_space<vmem>>) target(%dma_start3A_233 : memref<10112x128xf32, #tpu.memory_space<vmem_shared>>) offsets(%arg11 : memref<80xi32, #tpu.memory_space<vmem>>) semaphore(%run_scoped3A : memref<!tpu.dma_semaphore, #tpu.memory_space<semaphore_mem>>) {add = true}
        %dma_wait3A_234 = arith.constant 0 : i32
        %dma_wait3A_235 = arith.constant 0 : i32
        %dma_wait3A_236 = tpu.memref_slice %arg7[%dma_wait3A_234, %dma_wait3A_235] : memref<10112x128xf32, #tpu.memory_space<vmem_shared>> -> memref<10112x128xf32, #tpu.memory_space<vmem_shared>>
        tpu.wait_indirect_dma semaphore(%run_scoped3A : memref<!tpu.dma_semaphore, #tpu.memory_space<semaphore_mem>>) src(%arg14 : memref<80x128xf32, #tpu.memory_space<vmem>>) dst(%dma_wait3A_236 : memref<10112x128xf32, #tpu.memory_space<vmem_shared>>)
        tpu.yield
      }) : () -> ()
      %add3A_132 = arith.constant 0 : i32
      %add3A_133 = arith.addi %mul3A_128, %add3A_132 : i32
      %add3A_134 = arith.constant 3 : i32
      %add3A_135 = arith.addi %add3A_133, %add3A_134 : i32
      %mul3A_136 = arith.constant 80 : i32
      %mul3A_137 = arith.muli %add3A_135, %mul3A_136 : i32
      %add3A_138 = arith.addi %multiple_of3A_11, %mul3A_137 : i32
      %dma_start3A_139 = tpu.memref_slice %arg2[%add3A_138] : memref<320000xi32, #tpu.memory_space<hbm>> -> memref<80xi32, #tpu.memory_space<hbm>>
      %dma_start3A_140 = tpu.memref_slice %arg2[%add3A_138] : memref<320000xi32, #tpu.memory_space<hbm>> -> memref<80xi32, #tpu.memory_space<hbm>>
      tpu.enqueue_dma source(%dma_start3A_140 : memref<80xi32, #tpu.memory_space<hbm>>) target(%arg8 : memref<80xi32, #tpu.memory_space<vmem>>) target_semaphore(%arg17 : memref<!tpu.dma_semaphore, #tpu.memory_space<semaphore_mem>>)
      %mul3A_141 = arith.constant 80 : i32
      %mul3A_142 = arith.muli %add3A_135, %mul3A_141 : i32
      %add3A_143 = arith.addi %multiple_of3A_11, %mul3A_142 : i32
      %dma_start3A_144 = tpu.memref_slice %arg3[%add3A_143] : memref<320000xi32, #tpu.memory_space<hbm>> -> memref<80xi32, #tpu.memory_space<hbm>>
      %dma_start3A_145 = tpu.memref_slice %arg3[%add3A_143] : memref<320000xi32, #tpu.memory_space<hbm>> -> memref<80xi32, #tpu.memory_space<hbm>>
      tpu.enqueue_dma source(%dma_start3A_145 : memref<80xi32, #tpu.memory_space<hbm>>) target(%arg11 : memref<80xi32, #tpu.memory_space<vmem>>) target_semaphore(%arg17 : memref<!tpu.dma_semaphore, #tpu.memory_space<semaphore_mem>>)
      %add3A_146 = arith.constant 0 : i32
      %add3A_147 = arith.addi %mul3A_128, %add3A_146 : i32
      %add3A_148 = arith.constant 2 : i32
      %add3A_149 = arith.addi %add3A_147, %add3A_148 : i32
      %mul3A_150 = arith.constant 80 : i32
      %mul3A_151 = arith.muli %add3A_149, %mul3A_150 : i32
      %add3A_152 = arith.addi %multiple_of3A_11, %mul3A_151 : i32
      %dma_wait3A_153 = tpu.memref_slice %arg2[%add3A_152] : memref<320000xi32, #tpu.memory_space<hbm>> -> memref<80xi32, #tpu.memory_space<hbm>>
      %dma_wait3A_154 = tpu.memref_slice %arg2[%add3A_152] : memref<320000xi32, #tpu.memory_space<hbm>> -> memref<80xi32, #tpu.memory_space<hbm>>
      tpu.wait_dma2 semaphore(%arg19 : memref<!tpu.dma_semaphore, #tpu.memory_space<semaphore_mem>>) src(%dma_wait3A_154 : memref<80xi32, #tpu.memory_space<hbm>>) dst(%arg10 : memref<80xi32, #tpu.memory_space<vmem>>)
      %mul3A_155 = arith.constant 80 : i32
      %mul3A_156 = arith.muli %add3A_149, %mul3A_155 : i32
      %add3A_157 = arith.addi %multiple_of3A_11, %mul3A_156 : i32
      %dma_wait3A_158 = tpu.memref_slice %arg3[%add3A_157] : memref<320000xi32, #tpu.memory_space<hbm>> -> memref<80xi32, #tpu.memory_space<hbm>>
      %dma_wait3A_159 = tpu.memref_slice %arg3[%add3A_157] : memref<320000xi32, #tpu.memory_space<hbm>> -> memref<80xi32, #tpu.memory_space<hbm>>
      tpu.wait_dma2 semaphore(%arg19 : memref<!tpu.dma_semaphore, #tpu.memory_space<semaphore_mem>>) src(%dma_wait3A_159 : memref<80xi32, #tpu.memory_space<hbm>>) dst(%arg13 : memref<80xi32, #tpu.memory_space<vmem>>)
      %dma_start3A_160 = arith.constant 0 : i32
      %dma_start3A_161 = arith.constant 0 : i32
      %dma_start3A_162 = tpu.memref_slice %arg4[%dma_start3A_160, %dma_start3A_161] : memref<10000x128xf32, #tpu.memory_space<hbm>> -> memref<10000x128xf32, #tpu.memory_space<hbm>>
      tpu.enqueue_indirect_dma source(%dma_start3A_162 : memref<10000x128xf32, #tpu.memory_space<hbm>>) target(%arg16 : memref<80x128xf32, #tpu.memory_space<vmem>>) offsets(%arg10 : memref<80xi32, #tpu.memory_space<vmem>>) semaphore(%arg22 : memref<!tpu.dma_semaphore, #tpu.memory_space<semaphore_mem>>)
      %dma_wait3A_163 = arith.constant 0 : i32
      %dma_wait3A_164 = arith.constant 0 : i32
      %dma_wait3A_165 = tpu.memref_slice %arg4[%dma_wait3A_163, %dma_wait3A_164] : memref<10000x128xf32, #tpu.memory_space<hbm>> -> memref<10000x128xf32, #tpu.memory_space<hbm>>
      tpu.wait_indirect_dma semaphore(%arg21 : memref<!tpu.dma_semaphore, #tpu.memory_space<semaphore_mem>>) src(%dma_wait3A_165 : memref<10000x128xf32, #tpu.memory_space<hbm>>) dst(%arg15 : memref<80x128xf32, #tpu.memory_space<vmem>>)
      "tpu.region"() ({
        %run_scoped3A = tpu.sem_alloc : memref<!tpu.dma_semaphore, #tpu.memory_space<semaphore_mem>>
        %dma_start3A_231 = arith.constant 0 : i32
        %dma_start3A_232 = arith.constant 0 : i32
        %dma_start3A_233 = tpu.memref_slice %arg7[%dma_start3A_231, %dma_start3A_232] : memref<10112x128xf32, #tpu.memory_space<vmem_shared>> -> memref<10112x128xf32, #tpu.memory_space<vmem_shared>>
        tpu.enqueue_indirect_dma source(%arg15 : memref<80x128xf32, #tpu.memory_space<vmem>>) target(%dma_start3A_233 : memref<10112x128xf32, #tpu.memory_space<vmem_shared>>) offsets(%arg12 : memref<80xi32, #tpu.memory_space<vmem>>) semaphore(%run_scoped3A : memref<!tpu.dma_semaphore, #tpu.memory_space<semaphore_mem>>) {add = true}
        %dma_wait3A_234 = arith.constant 0 : i32
        %dma_wait3A_235 = arith.constant 0 : i32
        %dma_wait3A_236 = tpu.memref_slice %arg7[%dma_wait3A_234, %dma_wait3A_235] : memref<10112x128xf32, #tpu.memory_space<vmem_shared>> -> memref<10112x128xf32, #tpu.memory_space<vmem_shared>>
        tpu.wait_indirect_dma semaphore(%run_scoped3A : memref<!tpu.dma_semaphore, #tpu.memory_space<semaphore_mem>>) src(%arg15 : memref<80x128xf32, #tpu.memory_space<vmem>>) dst(%dma_wait3A_236 : memref<10112x128xf32, #tpu.memory_space<vmem_shared>>)
        tpu.yield
      }) : () -> ()
      %add3A_166 = arith.constant 1 : i32
      %add3A_167 = arith.addi %mul3A_128, %add3A_166 : i32
      %add3A_168 = arith.constant 3 : i32
      %add3A_169 = arith.addi %add3A_167, %add3A_168 : i32
      %mul3A_170 = arith.constant 80 : i32
      %mul3A_171 = arith.muli %add3A_169, %mul3A_170 : i32
      %add3A_172 = arith.addi %multiple_of3A_11, %mul3A_171 : i32
      %dma_start3A_173 = tpu.memref_slice %arg2[%add3A_172] : memref<320000xi32, #tpu.memory_space<hbm>> -> memref<80xi32, #tpu.memory_space<hbm>>
      %dma_start3A_174 = tpu.memref_slice %arg2[%add3A_172] : memref<320000xi32, #tpu.memory_space<hbm>> -> memref<80xi32, #tpu.memory_space<hbm>>
      tpu.enqueue_dma source(%dma_start3A_174 : memref<80xi32, #tpu.memory_space<hbm>>) target(%arg9 : memref<80xi32, #tpu.memory_space<vmem>>) target_semaphore(%arg18 : memref<!tpu.dma_semaphore, #tpu.memory_space<semaphore_mem>>)
      %mul3A_175 = arith.constant 80 : i32
      %mul3A_176 = arith.muli %add3A_169, %mul3A_175 : i32
      %add3A_177 = arith.addi %multiple_of3A_11, %mul3A_176 : i32
      %dma_start3A_178 = tpu.memref_slice %arg3[%add3A_177] : memref<320000xi32, #tpu.memory_space<hbm>> -> memref<80xi32, #tpu.memory_space<hbm>>
      %dma_start3A_179 = tpu.memref_slice %arg3[%add3A_177] : memref<320000xi32, #tpu.memory_space<hbm>> -> memref<80xi32, #tpu.memory_space<hbm>>
      tpu.enqueue_dma source(%dma_start3A_179 : memref<80xi32, #tpu.memory_space<hbm>>) target(%arg12 : memref<80xi32, #tpu.memory_space<vmem>>) target_semaphore(%arg18 : memref<!tpu.dma_semaphore, #tpu.memory_space<semaphore_mem>>)
      %add3A_180 = arith.constant 1 : i32
      %add3A_181 = arith.addi %mul3A_128, %add3A_180 : i32
      %add3A_182 = arith.constant 2 : i32
      %add3A_183 = arith.addi %add3A_181, %add3A_182 : i32
      %mul3A_184 = arith.constant 80 : i32
      %mul3A_185 = arith.muli %add3A_183, %mul3A_184 : i32
      %add3A_186 = arith.addi %multiple_of3A_11, %mul3A_185 : i32
      %dma_wait3A_187 = tpu.memref_slice %arg2[%add3A_186] : memref<320000xi32, #tpu.memory_space<hbm>> -> memref<80xi32, #tpu.memory_space<hbm>>
      %dma_wait3A_188 = tpu.memref_slice %arg2[%add3A_186] : memref<320000xi32, #tpu.memory_space<hbm>> -> memref<80xi32, #tpu.memory_space<hbm>>
      tpu.wait_dma2 semaphore(%arg17 : memref<!tpu.dma_semaphore, #tpu.memory_space<semaphore_mem>>) src(%dma_wait3A_188 : memref<80xi32, #tpu.memory_space<hbm>>) dst(%arg8 : memref<80xi32, #tpu.memory_space<vmem>>)
      %mul3A_189 = arith.constant 80 : i32
      %mul3A_190 = arith.muli %add3A_183, %mul3A_189 : i32
      %add3A_191 = arith.addi %multiple_of3A_11, %mul3A_190 : i32
      %dma_wait3A_192 = tpu.memref_slice %arg3[%add3A_191] : memref<320000xi32, #tpu.memory_space<hbm>> -> memref<80xi32, #tpu.memory_space<hbm>>
      %dma_wait3A_193 = tpu.memref_slice %arg3[%add3A_191] : memref<320000xi32, #tpu.memory_space<hbm>> -> memref<80xi32, #tpu.memory_space<hbm>>
      tpu.wait_dma2 semaphore(%arg17 : memref<!tpu.dma_semaphore, #tpu.memory_space<semaphore_mem>>) src(%dma_wait3A_193 : memref<80xi32, #tpu.memory_space<hbm>>) dst(%arg11 : memref<80xi32, #tpu.memory_space<vmem>>)
      %dma_start3A_194 = arith.constant 0 : i32
      %dma_start3A_195 = arith.constant 0 : i32
      %dma_start3A_196 = tpu.memref_slice %arg4[%dma_start3A_194, %dma_start3A_195] : memref<10000x128xf32, #tpu.memory_space<hbm>> -> memref<10000x128xf32, #tpu.memory_space<hbm>>
      tpu.enqueue_indirect_dma source(%dma_start3A_196 : memref<10000x128xf32, #tpu.memory_space<hbm>>) target(%arg14 : memref<80x128xf32, #tpu.memory_space<vmem>>) offsets(%arg8 : memref<80xi32, #tpu.memory_space<vmem>>) semaphore(%arg20 : memref<!tpu.dma_semaphore, #tpu.memory_space<semaphore_mem>>)
      %dma_wait3A_197 = arith.constant 0 : i32
      %dma_wait3A_198 = arith.constant 0 : i32
      %dma_wait3A_199 = tpu.memref_slice %arg4[%dma_wait3A_197, %dma_wait3A_198] : memref<10000x128xf32, #tpu.memory_space<hbm>> -> memref<10000x128xf32, #tpu.memory_space<hbm>>
      tpu.wait_indirect_dma semaphore(%arg22 : memref<!tpu.dma_semaphore, #tpu.memory_space<semaphore_mem>>) src(%dma_wait3A_199 : memref<10000x128xf32, #tpu.memory_space<hbm>>) dst(%arg16 : memref<80x128xf32, #tpu.memory_space<vmem>>)
      "tpu.region"() ({
        %run_scoped3A = tpu.sem_alloc : memref<!tpu.dma_semaphore, #tpu.memory_space<semaphore_mem>>
        %dma_start3A_231 = arith.constant 0 : i32
        %dma_start3A_232 = arith.constant 0 : i32
        %dma_start3A_233 = tpu.memref_slice %arg7[%dma_start3A_231, %dma_start3A_232] : memref<10112x128xf32, #tpu.memory_space<vmem_shared>> -> memref<10112x128xf32, #tpu.memory_space<vmem_shared>>
        tpu.enqueue_indirect_dma source(%arg16 : memref<80x128xf32, #tpu.memory_space<vmem>>) target(%dma_start3A_233 : memref<10112x128xf32, #tpu.memory_space<vmem_shared>>) offsets(%arg13 : memref<80xi32, #tpu.memory_space<vmem>>) semaphore(%run_scoped3A : memref<!tpu.dma_semaphore, #tpu.memory_space<semaphore_mem>>) {add = true}
        %dma_wait3A_234 = arith.constant 0 : i32
        %dma_wait3A_235 = arith.constant 0 : i32
        %dma_wait3A_236 = tpu.memref_slice %arg7[%dma_wait3A_234, %dma_wait3A_235] : memref<10112x128xf32, #tpu.memory_space<vmem_shared>> -> memref<10112x128xf32, #tpu.memory_space<vmem_shared>>
        tpu.wait_indirect_dma semaphore(%run_scoped3A : memref<!tpu.dma_semaphore, #tpu.memory_space<semaphore_mem>>) src(%arg16 : memref<80x128xf32, #tpu.memory_space<vmem>>) dst(%dma_wait3A_236 : memref<10112x128xf32, #tpu.memory_space<vmem_shared>>)
        tpu.yield
      }) : () -> ()
      %add3A_200 = arith.constant 2 : i32
      %add3A_201 = arith.addi %mul3A_128, %add3A_200 : i32
      %add3A_202 = arith.constant 3 : i32
      %add3A_203 = arith.addi %add3A_201, %add3A_202 : i32
      %mul3A_204 = arith.constant 80 : i32
      %mul3A_205 = arith.muli %add3A_203, %mul3A_204 : i32
      %add3A_206 = arith.addi %multiple_of3A_11, %mul3A_205 : i32
      %dma_start3A_207 = tpu.memref_slice %arg2[%add3A_206] : memref<320000xi32, #tpu.memory_space<hbm>> -> memref<80xi32, #tpu.memory_space<hbm>>
      %dma_start3A_208 = tpu.memref_slice %arg2[%add3A_206] : memref<320000xi32, #tpu.memory_space<hbm>> -> memref<80xi32, #tpu.memory_space<hbm>>
      tpu.enqueue_dma source(%dma_start3A_208 : memref<80xi32, #tpu.memory_space<hbm>>) target(%arg10 : memref<80xi32, #tpu.memory_space<vmem>>) target_semaphore(%arg19 : memref<!tpu.dma_semaphore, #tpu.memory_space<semaphore_mem>>)
      %mul3A_209 = arith.constant 80 : i32
      %mul3A_210 = arith.muli %add3A_203, %mul3A_209 : i32
      %add3A_211 = arith.addi %multiple_of3A_11, %mul3A_210 : i32
      %dma_start3A_212 = tpu.memref_slice %arg3[%add3A_211] : memref<320000xi32, #tpu.memory_space<hbm>> -> memref<80xi32, #tpu.memory_space<hbm>>
      %dma_start3A_213 = tpu.memref_slice %arg3[%add3A_211] : memref<320000xi32, #tpu.memory_space<hbm>> -> memref<80xi32, #tpu.memory_space<hbm>>
      tpu.enqueue_dma source(%dma_start3A_213 : memref<80xi32, #tpu.memory_space<hbm>>) target(%arg13 : memref<80xi32, #tpu.memory_space<vmem>>) target_semaphore(%arg19 : memref<!tpu.dma_semaphore, #tpu.memory_space<semaphore_mem>>)
      %add3A_214 = arith.constant 2 : i32
      %add3A_215 = arith.addi %mul3A_128, %add3A_214 : i32
      %add3A_216 = arith.constant 2 : i32
      %add3A_217 = arith.addi %add3A_215, %add3A_216 : i32
      %mul3A_218 = arith.constant 80 : i32
      %mul3A_219 = arith.muli %add3A_217, %mul3A_218 : i32
      %add3A_220 = arith.addi %multiple_of3A_11, %mul3A_219 : i32
      %dma_wait3A_221 = tpu.memref_slice %arg2[%add3A_220] : memref<320000xi32, #tpu.memory_space<hbm>> -> memref<80xi32, #tpu.memory_space<hbm>>
      %dma_wait3A_222 = tpu.memref_slice %arg2[%add3A_220] : memref<320000xi32, #tpu.memory_space<hbm>> -> memref<80xi32, #tpu.memory_space<hbm>>
      tpu.wait_dma2 semaphore(%arg18 : memref<!tpu.dma_semaphore, #tpu.memory_space<semaphore_mem>>) src(%dma_wait3A_222 : memref<80xi32, #tpu.memory_space<hbm>>) dst(%arg9 : memref<80xi32, #tpu.memory_space<vmem>>)
      %mul3A_223 = arith.constant 80 : i32
      %mul3A_224 = arith.muli %add3A_217, %mul3A_223 : i32
      %add3A_225 = arith.addi %multiple_of3A_11, %mul3A_224 : i32
      %dma_wait3A_226 = tpu.memref_slice %arg3[%add3A_225] : memref<320000xi32, #tpu.memory_space<hbm>> -> memref<80xi32, #tpu.memory_space<hbm>>
      %dma_wait3A_227 = tpu.memref_slice %arg3[%add3A_225] : memref<320000xi32, #tpu.memory_space<hbm>> -> memref<80xi32, #tpu.memory_space<hbm>>
      tpu.wait_dma2 semaphore(%arg18 : memref<!tpu.dma_semaphore, #tpu.memory_space<semaphore_mem>>) src(%dma_wait3A_227 : memref<80xi32, #tpu.memory_space<hbm>>) dst(%arg12 : memref<80xi32, #tpu.memory_space<vmem>>)
      %dma_start3A_228 = arith.constant 0 : i32
      %dma_start3A_229 = arith.constant 0 : i32
      %dma_start3A_230 = tpu.memref_slice %arg4[%dma_start3A_228, %dma_start3A_229] : memref<10000x128xf32, #tpu.memory_space<hbm>> -> memref<10000x128xf32, #tpu.memory_space<hbm>>
      tpu.enqueue_indirect_dma source(%dma_start3A_230 : memref<10000x128xf32, #tpu.memory_space<hbm>>) target(%arg15 : memref<80x128xf32, #tpu.memory_space<vmem>>) offsets(%arg9 : memref<80xi32, #tpu.memory_space<vmem>>) semaphore(%arg21 : memref<!tpu.dma_semaphore, #tpu.memory_space<semaphore_mem>>)
    }
    %scan3A_60 = arith.constant 40 : i32
    %dma_wait3A_61 = arith.constant 0 : i32
    %dma_wait3A_62 = arith.constant 0 : i32
    %dma_wait3A_63 = tpu.memref_slice %arg4[%dma_wait3A_61, %dma_wait3A_62] : memref<10000x128xf32, #tpu.memory_space<hbm>> -> memref<10000x128xf32, #tpu.memory_space<hbm>>
    tpu.wait_indirect_dma semaphore(%arg20 : memref<!tpu.dma_semaphore, #tpu.memory_space<semaphore_mem>>) src(%dma_wait3A_63 : memref<10000x128xf32, #tpu.memory_space<hbm>>) dst(%arg14 : memref<80x128xf32, #tpu.memory_space<vmem>>)
    "tpu.region"() ({
      %run_scoped3A = tpu.sem_alloc : memref<!tpu.dma_semaphore, #tpu.memory_space<semaphore_mem>>
      %dma_start3A_126 = arith.constant 0 : i32
      %dma_start3A_127 = arith.constant 0 : i32
      %dma_start3A_128 = tpu.memref_slice %arg7[%dma_start3A_126, %dma_start3A_127] : memref<10112x128xf32, #tpu.memory_space<vmem_shared>> -> memref<10112x128xf32, #tpu.memory_space<vmem_shared>>
      tpu.enqueue_indirect_dma source(%arg14 : memref<80x128xf32, #tpu.memory_space<vmem>>) target(%dma_start3A_128 : memref<10112x128xf32, #tpu.memory_space<vmem_shared>>) offsets(%arg11 : memref<80xi32, #tpu.memory_space<vmem>>) semaphore(%run_scoped3A : memref<!tpu.dma_semaphore, #tpu.memory_space<semaphore_mem>>) {add = true}
      %dma_wait3A_129 = arith.constant 0 : i32
      %dma_wait3A_130 = arith.constant 0 : i32
      %dma_wait3A_131 = tpu.memref_slice %arg7[%dma_wait3A_129, %dma_wait3A_130] : memref<10112x128xf32, #tpu.memory_space<vmem_shared>> -> memref<10112x128xf32, #tpu.memory_space<vmem_shared>>
      tpu.wait_indirect_dma semaphore(%run_scoped3A : memref<!tpu.dma_semaphore, #tpu.memory_space<semaphore_mem>>) src(%arg14 : memref<80x128xf32, #tpu.memory_space<vmem>>) dst(%dma_wait3A_131 : memref<10112x128xf32, #tpu.memory_space<vmem_shared>>)
      tpu.yield
    }) : () -> ()
    %add3A_64 = arith.constant 9840 : i32
    %add3A_65 = arith.addi %multiple_of3A_11, %add3A_64 : i32
    %dma_start3A_66 = tpu.memref_slice %arg2[%add3A_65] : memref<320000xi32, #tpu.memory_space<hbm>> -> memref<80xi32, #tpu.memory_space<hbm>>
    %dma_start3A_67 = tpu.memref_slice %arg2[%add3A_65] : memref<320000xi32, #tpu.memory_space<hbm>> -> memref<80xi32, #tpu.memory_space<hbm>>
    tpu.enqueue_dma source(%dma_start3A_67 : memref<80xi32, #tpu.memory_space<hbm>>) target(%arg8 : memref<80xi32, #tpu.memory_space<vmem>>) target_semaphore(%arg17 : memref<!tpu.dma_semaphore, #tpu.memory_space<semaphore_mem>>)
    %add3A_68 = arith.constant 9840 : i32
    %add3A_69 = arith.addi %multiple_of3A_11, %add3A_68 : i32
    %dma_start3A_70 = tpu.memref_slice %arg3[%add3A_69] : memref<320000xi32, #tpu.memory_space<hbm>> -> memref<80xi32, #tpu.memory_space<hbm>>
    %dma_start3A_71 = tpu.memref_slice %arg3[%add3A_69] : memref<320000xi32, #tpu.memory_space<hbm>> -> memref<80xi32, #tpu.memory_space<hbm>>
    tpu.enqueue_dma source(%dma_start3A_71 : memref<80xi32, #tpu.memory_space<hbm>>) target(%arg11 : memref<80xi32, #tpu.memory_space<vmem>>) target_semaphore(%arg17 : memref<!tpu.dma_semaphore, #tpu.memory_space<semaphore_mem>>)
    %add3A_72 = arith.constant 9760 : i32
    %add3A_73 = arith.addi %multiple_of3A_11, %add3A_72 : i32
    %dma_wait3A_74 = tpu.memref_slice %arg2[%add3A_73] : memref<320000xi32, #tpu.memory_space<hbm>> -> memref<80xi32, #tpu.memory_space<hbm>>
    %dma_wait3A_75 = tpu.memref_slice %arg2[%add3A_73] : memref<320000xi32, #tpu.memory_space<hbm>> -> memref<80xi32, #tpu.memory_space<hbm>>
    tpu.wait_dma2 semaphore(%arg19 : memref<!tpu.dma_semaphore, #tpu.memory_space<semaphore_mem>>) src(%dma_wait3A_75 : memref<80xi32, #tpu.memory_space<hbm>>) dst(%arg10 : memref<80xi32, #tpu.memory_space<vmem>>)
    %add3A_76 = arith.constant 9760 : i32
    %add3A_77 = arith.addi %multiple_of3A_11, %add3A_76 : i32
    %dma_wait3A_78 = tpu.memref_slice %arg3[%add3A_77] : memref<320000xi32, #tpu.memory_space<hbm>> -> memref<80xi32, #tpu.memory_space<hbm>>
    %dma_wait3A_79 = tpu.memref_slice %arg3[%add3A_77] : memref<320000xi32, #tpu.memory_space<hbm>> -> memref<80xi32, #tpu.memory_space<hbm>>
    tpu.wait_dma2 semaphore(%arg19 : memref<!tpu.dma_semaphore, #tpu.memory_space<semaphore_mem>>) src(%dma_wait3A_79 : memref<80xi32, #tpu.memory_space<hbm>>) dst(%arg13 : memref<80xi32, #tpu.memory_space<vmem>>)
    %dma_start3A_80 = arith.constant 0 : i32
    %dma_start3A_81 = arith.constant 0 : i32
    %dma_start3A_82 = tpu.memref_slice %arg4[%dma_start3A_80, %dma_start3A_81] : memref<10000x128xf32, #tpu.memory_space<hbm>> -> memref<10000x128xf32, #tpu.memory_space<hbm>>
    tpu.enqueue_indirect_dma source(%dma_start3A_82 : memref<10000x128xf32, #tpu.memory_space<hbm>>) target(%arg16 : memref<80x128xf32, #tpu.memory_space<vmem>>) offsets(%arg10 : memref<80xi32, #tpu.memory_space<vmem>>) semaphore(%arg22 : memref<!tpu.dma_semaphore, #tpu.memory_space<semaphore_mem>>)
    %dma_wait3A_83 = arith.constant 0 : i32
    %dma_wait3A_84 = arith.constant 0 : i32
    %dma_wait3A_85 = tpu.memref_slice %arg4[%dma_wait3A_83, %dma_wait3A_84] : memref<10000x128xf32, #tpu.memory_space<hbm>> -> memref<10000x128xf32, #tpu.memory_space<hbm>>
    tpu.wait_indirect_dma semaphore(%arg21 : memref<!tpu.dma_semaphore, #tpu.memory_space<semaphore_mem>>) src(%dma_wait3A_85 : memref<10000x128xf32, #tpu.memory_space<hbm>>) dst(%arg15 : memref<80x128xf32, #tpu.memory_space<vmem>>)
    "tpu.region"() ({
      %run_scoped3A = tpu.sem_alloc : memref<!tpu.dma_semaphore, #tpu.memory_space<semaphore_mem>>
      %dma_start3A_126 = arith.constant 0 : i32
      %dma_start3A_127 = arith.constant 0 : i32
      %dma_start3A_128 = tpu.memref_slice %arg7[%dma_start3A_126, %dma_start3A_127] : memref<10112x128xf32, #tpu.memory_space<vmem_shared>> -> memref<10112x128xf32, #tpu.memory_space<vmem_shared>>
      tpu.enqueue_indirect_dma source(%arg15 : memref<80x128xf32, #tpu.memory_space<vmem>>) target(%dma_start3A_128 : memref<10112x128xf32, #tpu.memory_space<vmem_shared>>) offsets(%arg12 : memref<80xi32, #tpu.memory_space<vmem>>) semaphore(%run_scoped3A : memref<!tpu.dma_semaphore, #tpu.memory_space<semaphore_mem>>) {add = true}
      %dma_wait3A_129 = arith.constant 0 : i32
      %dma_wait3A_130 = arith.constant 0 : i32
      %dma_wait3A_131 = tpu.memref_slice %arg7[%dma_wait3A_129, %dma_wait3A_130] : memref<10112x128xf32, #tpu.memory_space<vmem_shared>> -> memref<10112x128xf32, #tpu.memory_space<vmem_shared>>
      tpu.wait_indirect_dma semaphore(%run_scoped3A : memref<!tpu.dma_semaphore, #tpu.memory_space<semaphore_mem>>) src(%arg15 : memref<80x128xf32, #tpu.memory_space<vmem>>) dst(%dma_wait3A_131 : memref<10112x128xf32, #tpu.memory_space<vmem_shared>>)
      tpu.yield
    }) : () -> ()
    %add3A_86 = arith.constant 9920 : i32
    %add3A_87 = arith.addi %multiple_of3A_11, %add3A_86 : i32
    %dma_start3A_88 = tpu.memref_slice %arg2[%add3A_87] : memref<320000xi32, #tpu.memory_space<hbm>> -> memref<80xi32, #tpu.memory_space<hbm>>
    %dma_start3A_89 = tpu.memref_slice %arg2[%add3A_87] : memref<320000xi32, #tpu.memory_space<hbm>> -> memref<80xi32, #tpu.memory_space<hbm>>
    tpu.enqueue_dma source(%dma_start3A_89 : memref<80xi32, #tpu.memory_space<hbm>>) target(%arg9 : memref<80xi32, #tpu.memory_space<vmem>>) target_semaphore(%arg18 : memref<!tpu.dma_semaphore, #tpu.memory_space<semaphore_mem>>)
    %add3A_90 = arith.constant 9920 : i32
    %add3A_91 = arith.addi %multiple_of3A_11, %add3A_90 : i32
    %dma_start3A_92 = tpu.memref_slice %arg3[%add3A_91] : memref<320000xi32, #tpu.memory_space<hbm>> -> memref<80xi32, #tpu.memory_space<hbm>>
    %dma_start3A_93 = tpu.memref_slice %arg3[%add3A_91] : memref<320000xi32, #tpu.memory_space<hbm>> -> memref<80xi32, #tpu.memory_space<hbm>>
    tpu.enqueue_dma source(%dma_start3A_93 : memref<80xi32, #tpu.memory_space<hbm>>) target(%arg12 : memref<80xi32, #tpu.memory_space<vmem>>) target_semaphore(%arg18 : memref<!tpu.dma_semaphore, #tpu.memory_space<semaphore_mem>>)
    %add3A_94 = arith.constant 9840 : i32
    %add3A_95 = arith.addi %multiple_of3A_11, %add3A_94 : i32
    %dma_wait3A_96 = tpu.memref_slice %arg2[%add3A_95] : memref<320000xi32, #tpu.memory_space<hbm>> -> memref<80xi32, #tpu.memory_space<hbm>>
    %dma_wait3A_97 = tpu.memref_slice %arg2[%add3A_95] : memref<320000xi32, #tpu.memory_space<hbm>> -> memref<80xi32, #tpu.memory_space<hbm>>
    tpu.wait_dma2 semaphore(%arg17 : memref<!tpu.dma_semaphore, #tpu.memory_space<semaphore_mem>>) src(%dma_wait3A_97 : memref<80xi32, #tpu.memory_space<hbm>>) dst(%arg8 : memref<80xi32, #tpu.memory_space<vmem>>)
    %add3A_98 = arith.constant 9840 : i32
    %add3A_99 = arith.addi %multiple_of3A_11, %add3A_98 : i32
    %dma_wait3A_100 = tpu.memref_slice %arg3[%add3A_99] : memref<320000xi32, #tpu.memory_space<hbm>> -> memref<80xi32, #tpu.memory_space<hbm>>
    %dma_wait3A_101 = tpu.memref_slice %arg3[%add3A_99] : memref<320000xi32, #tpu.memory_space<hbm>> -> memref<80xi32, #tpu.memory_space<hbm>>
    tpu.wait_dma2 semaphore(%arg17 : memref<!tpu.dma_semaphore, #tpu.memory_space<semaphore_mem>>) src(%dma_wait3A_101 : memref<80xi32, #tpu.memory_space<hbm>>) dst(%arg11 : memref<80xi32, #tpu.memory_space<vmem>>)
    %dma_start3A_102 = arith.constant 0 : i32
    %dma_start3A_103 = arith.constant 0 : i32
    %dma_start3A_104 = tpu.memref_slice %arg4[%dma_start3A_102, %dma_start3A_103] : memref<10000x128xf32, #tpu.memory_space<hbm>> -> memref<10000x128xf32, #tpu.memory_space<hbm>>
    tpu.enqueue_indirect_dma source(%dma_start3A_104 : memref<10000x128xf32, #tpu.memory_space<hbm>>) target(%arg14 : memref<80x128xf32, #tpu.memory_space<vmem>>) offsets(%arg8 : memref<80xi32, #tpu.memory_space<vmem>>) semaphore(%arg20 : memref<!tpu.dma_semaphore, #tpu.memory_space<semaphore_mem>>)
    %dma_wait3A_105 = arith.constant 0 : i32
    %dma_wait3A_106 = arith.constant 0 : i32
    %dma_wait3A_107 = tpu.memref_slice %arg4[%dma_wait3A_105, %dma_wait3A_106] : memref<10000x128xf32, #tpu.memory_space<hbm>> -> memref<10000x128xf32, #tpu.memory_space<hbm>>
    tpu.wait_indirect_dma semaphore(%arg22 : memref<!tpu.dma_semaphore, #tpu.memory_space<semaphore_mem>>) src(%dma_wait3A_107 : memref<10000x128xf32, #tpu.memory_space<hbm>>) dst(%arg16 : memref<80x128xf32, #tpu.memory_space<vmem>>)
    "tpu.region"() ({
      %run_scoped3A = tpu.sem_alloc : memref<!tpu.dma_semaphore, #tpu.memory_space<semaphore_mem>>
      %dma_start3A_126 = arith.constant 0 : i32
      %dma_start3A_127 = arith.constant 0 : i32
      %dma_start3A_128 = tpu.memref_slice %arg7[%dma_start3A_126, %dma_start3A_127] : memref<10112x128xf32, #tpu.memory_space<vmem_shared>> -> memref<10112x128xf32, #tpu.memory_space<vmem_shared>>
      tpu.enqueue_indirect_dma source(%arg16 : memref<80x128xf32, #tpu.memory_space<vmem>>) target(%dma_start3A_128 : memref<10112x128xf32, #tpu.memory_space<vmem_shared>>) offsets(%arg13 : memref<80xi32, #tpu.memory_space<vmem>>) semaphore(%run_scoped3A : memref<!tpu.dma_semaphore, #tpu.memory_space<semaphore_mem>>) {add = true}
      %dma_wait3A_129 = arith.constant 0 : i32
      %dma_wait3A_130 = arith.constant 0 : i32
      %dma_wait3A_131 = tpu.memref_slice %arg7[%dma_wait3A_129, %dma_wait3A_130] : memref<10112x128xf32, #tpu.memory_space<vmem_shared>> -> memref<10112x128xf32, #tpu.memory_space<vmem_shared>>
      tpu.wait_indirect_dma semaphore(%run_scoped3A : memref<!tpu.dma_semaphore, #tpu.memory_space<semaphore_mem>>) src(%arg16 : memref<80x128xf32, #tpu.memory_space<vmem>>) dst(%dma_wait3A_131 : memref<10112x128xf32, #tpu.memory_space<vmem_shared>>)
      tpu.yield
    }) : () -> ()
    %add3A_108 = arith.constant 9920 : i32
    %add3A_109 = arith.addi %multiple_of3A_11, %add3A_108 : i32
    %dma_wait3A_110 = tpu.memref_slice %arg2[%add3A_109] : memref<320000xi32, #tpu.memory_space<hbm>> -> memref<80xi32, #tpu.memory_space<hbm>>
    %dma_wait3A_111 = tpu.memref_slice %arg2[%add3A_109] : memref<320000xi32, #tpu.memory_space<hbm>> -> memref<80xi32, #tpu.memory_space<hbm>>
    tpu.wait_dma2 semaphore(%arg18 : memref<!tpu.dma_semaphore, #tpu.memory_space<semaphore_mem>>) src(%dma_wait3A_111 : memref<80xi32, #tpu.memory_space<hbm>>) dst(%arg9 : memref<80xi32, #tpu.memory_space<vmem>>)
    %add3A_112 = arith.constant 9920 : i32
    %add3A_113 = arith.addi %multiple_of3A_11, %add3A_112 : i32
    %dma_wait3A_114 = tpu.memref_slice %arg3[%add3A_113] : memref<320000xi32, #tpu.memory_space<hbm>> -> memref<80xi32, #tpu.memory_space<hbm>>
    %dma_wait3A_115 = tpu.memref_slice %arg3[%add3A_113] : memref<320000xi32, #tpu.memory_space<hbm>> -> memref<80xi32, #tpu.memory_space<hbm>>
    tpu.wait_dma2 semaphore(%arg18 : memref<!tpu.dma_semaphore, #tpu.memory_space<semaphore_mem>>) src(%dma_wait3A_115 : memref<80xi32, #tpu.memory_space<hbm>>) dst(%arg12 : memref<80xi32, #tpu.memory_space<vmem>>)
    %dma_start3A_116 = arith.constant 0 : i32
    %dma_start3A_117 = arith.constant 0 : i32
    %dma_start3A_118 = tpu.memref_slice %arg4[%dma_start3A_116, %dma_start3A_117] : memref<10000x128xf32, #tpu.memory_space<hbm>> -> memref<10000x128xf32, #tpu.memory_space<hbm>>
    tpu.enqueue_indirect_dma source(%dma_start3A_118 : memref<10000x128xf32, #tpu.memory_space<hbm>>) target(%arg15 : memref<80x128xf32, #tpu.memory_space<vmem>>) offsets(%arg9 : memref<80xi32, #tpu.memory_space<vmem>>) semaphore(%arg21 : memref<!tpu.dma_semaphore, #tpu.memory_space<semaphore_mem>>)
    %dma_wait3A_119 = arith.constant 0 : i32
    %dma_wait3A_120 = arith.constant 0 : i32
    %dma_wait3A_121 = tpu.memref_slice %arg4[%dma_wait3A_119, %dma_wait3A_120] : memref<10000x128xf32, #tpu.memory_space<hbm>> -> memref<10000x128xf32, #tpu.memory_space<hbm>>
    tpu.wait_indirect_dma semaphore(%arg20 : memref<!tpu.dma_semaphore, #tpu.memory_space<semaphore_mem>>) src(%dma_wait3A_121 : memref<10000x128xf32, #tpu.memory_space<hbm>>) dst(%arg14 : memref<80x128xf32, #tpu.memory_space<vmem>>)
    "tpu.region"() ({
      %run_scoped3A = tpu.sem_alloc : memref<!tpu.dma_semaphore, #tpu.memory_space<semaphore_mem>>
      %dma_start3A_126 = arith.constant 0 : i32
      %dma_start3A_127 = arith.constant 0 : i32
      %dma_start3A_128 = tpu.memref_slice %arg7[%dma_start3A_126, %dma_start3A_127] : memref<10112x128xf32, #tpu.memory_space<vmem_shared>> -> memref<10112x128xf32, #tpu.memory_space<vmem_shared>>
      tpu.enqueue_indirect_dma source(%arg14 : memref<80x128xf32, #tpu.memory_space<vmem>>) target(%dma_start3A_128 : memref<10112x128xf32, #tpu.memory_space<vmem_shared>>) offsets(%arg11 : memref<80xi32, #tpu.memory_space<vmem>>) semaphore(%run_scoped3A : memref<!tpu.dma_semaphore, #tpu.memory_space<semaphore_mem>>) {add = true}
      %dma_wait3A_129 = arith.constant 0 : i32
      %dma_wait3A_130 = arith.constant 0 : i32
      %dma_wait3A_131 = tpu.memref_slice %arg7[%dma_wait3A_129, %dma_wait3A_130] : memref<10112x128xf32, #tpu.memory_space<vmem_shared>> -> memref<10112x128xf32, #tpu.memory_space<vmem_shared>>
      tpu.wait_indirect_dma semaphore(%run_scoped3A : memref<!tpu.dma_semaphore, #tpu.memory_space<semaphore_mem>>) src(%arg14 : memref<80x128xf32, #tpu.memory_space<vmem>>) dst(%dma_wait3A_131 : memref<10112x128xf32, #tpu.memory_space<vmem_shared>>)
      tpu.yield
    }) : () -> ()
    %dma_wait3A_122 = arith.constant 0 : i32
    %dma_wait3A_123 = arith.constant 0 : i32
    %dma_wait3A_124 = tpu.memref_slice %arg4[%dma_wait3A_122, %dma_wait3A_123] : memref<10000x128xf32, #tpu.memory_space<hbm>> -> memref<10000x128xf32, #tpu.memory_space<hbm>>
    tpu.wait_indirect_dma semaphore(%arg21 : memref<!tpu.dma_semaphore, #tpu.memory_space<semaphore_mem>>) src(%dma_wait3A_124 : memref<10000x128xf32, #tpu.memory_space<hbm>>) dst(%arg15 : memref<80x128xf32, #tpu.memory_space<vmem>>)
    "tpu.region"() ({
      %run_scoped3A = tpu.sem_alloc : memref<!tpu.dma_semaphore, #tpu.memory_space<semaphore_mem>>
      %dma_start3A_126 = arith.constant 0 : i32
      %dma_start3A_127 = arith.constant 0 : i32
      %dma_start3A_128 = tpu.memref_slice %arg7[%dma_start3A_126, %dma_start3A_127] : memref<10112x128xf32, #tpu.memory_space<vmem_shared>> -> memref<10112x128xf32, #tpu.memory_space<vmem_shared>>
      tpu.enqueue_indirect_dma source(%arg15 : memref<80x128xf32, #tpu.memory_space<vmem>>) target(%dma_start3A_128 : memref<10112x128xf32, #tpu.memory_space<vmem_shared>>) offsets(%arg12 : memref<80xi32, #tpu.memory_space<vmem>>) semaphore(%run_scoped3A : memref<!tpu.dma_semaphore, #tpu.memory_space<semaphore_mem>>) {add = true}
      %dma_wait3A_129 = arith.constant 0 : i32
      %dma_wait3A_130 = arith.constant 0 : i32
      %dma_wait3A_131 = tpu.memref_slice %arg7[%dma_wait3A_129, %dma_wait3A_130] : memref<10112x128xf32, #tpu.memory_space<vmem_shared>> -> memref<10112x128xf32, #tpu.memory_space<vmem_shared>>
      tpu.wait_indirect_dma semaphore(%run_scoped3A : memref<!tpu.dma_semaphore, #tpu.memory_space<semaphore_mem>>) src(%arg15 : memref<80x128xf32, #tpu.memory_space<vmem>>) dst(%dma_wait3A_131 : memref<10112x128xf32, #tpu.memory_space<vmem_shared>>)
      tpu.yield
    }) : () -> ()
    %barrier3A_125 = arith.constant 0 : index
    tpu.barrier barrier_id(%barrier3A_125)
    "tpu.region"() ({
      %run_scoped3A = tpu.sem_alloc : memref<!tpu.dma_semaphore, #tpu.memory_space<semaphore_mem>>
      %dma_start3A_126 = arith.constant 0 : i32
      %dma_start3A_127 = tpu.memref_slice %arg6[%multiple_of3A_8, %dma_start3A_126] : memref<20224x128xf32, #tpu.memory_space<hbm>> -> memref<632x128xf32, #tpu.memory_space<hbm>>
      %dma_start3A_128 = arith.constant 0 : i32
      %dma_start3A_129 = tpu.memref_slice %arg7[%multiple_of3A, %dma_start3A_128] : memref<10112x128xf32, #tpu.memory_space<vmem_shared>> -> memref<632x128xf32, #tpu.memory_space<vmem_shared>>
      tpu.enqueue_dma source(%dma_start3A_129 : memref<632x128xf32, #tpu.memory_space<vmem_shared>>) target(%dma_start3A_127 : memref<632x128xf32, #tpu.memory_space<hbm>>) target_semaphore(%run_scoped3A : memref<!tpu.dma_semaphore, #tpu.memory_space<semaphore_mem>>)
      %dma_wait3A_130 = arith.constant 0 : i32
      %dma_wait3A_131 = tpu.memref_slice %arg6[%multiple_of3A_8, %dma_wait3A_130] : memref<20224x128xf32, #tpu.memory_space<hbm>> -> memref<632x128xf32, #tpu.memory_space<hbm>>
      %dma_wait3A_132 = arith.constant 0 : i32
      %dma_wait3A_133 = tpu.memref_slice %arg7[%multiple_of3A, %dma_wait3A_132] : memref<10112x128xf32, #tpu.memory_space<vmem_shared>> -> memref<632x128xf32, #tpu.memory_space<vmem_shared>>
      tpu.wait_dma2 semaphore(%run_scoped3A : memref<!tpu.dma_semaphore, #tpu.memory_space<semaphore_mem>>) src(%dma_wait3A_133 : memref<632x128xf32, #tpu.memory_space<vmem_shared>>) dst(%dma_wait3A_131 : memref<632x128xf32, #tpu.memory_space<hbm>>)
      tpu.yield
    }) : () -> ()
    return
  }
}

#map = affine_map<(d0, d1) -> (0)>
#map1 = affine_map<(d0, d1) -> (0, 0)>
module attributes {stable_mosaic.version = 14 : i64} {
  func.func @body(%arg0: i32, %arg1: i32, %arg2: memref<320000xi32, #tpu.memory_space<hbm>>, %arg3: memref<632x128xf32, #tpu.memory_space<hbm>>, %arg4: memref<80x128xf32, #tpu.memory_space<hbm>>, %arg5: memref<20224x128xf32, #tpu.memory_space<hbm>>, %arg6: memref<20224x128xf32, #tpu.memory_space<hbm>>, %arg7: memref<10112x128xf32, #tpu.memory_space<vmem_shared>>, %arg8: memref<80xi32, #tpu.memory_space<vmem>>, %arg9: memref<80xi32, #tpu.memory_space<vmem>>, %arg10: memref<80x128xf32, #tpu.memory_space<vmem>>, %arg11: memref<!tpu.dma_semaphore, #tpu.memory_space<semaphore_mem>>, %arg12: memref<!tpu.dma_semaphore, #tpu.memory_space<semaphore_mem>>) attributes {dimension_semantics = [#tpu.dimension_semantics<core_parallel>, #tpu.dimension_semantics<subcore_parallel>], iteration_bounds = array<i64: 2, 16>, scalar_prefetch = 0 : i64, scratch_operands = 6 : i64, tpu.core_type = #tpu.core_type<sc_vector_subcore>, window_params = [{transform_indices = #map}, {transform_indices = #map1}, {transform_indices = #map1}, {transform_indices = #map1}, {transform_indices = #map1}]} {
    %mul3A = arith.constant 2 : i32
    %mul3A_0 = arith.muli %arg1, %mul3A : i32
    %add3A = arith.addi %mul3A_0, %arg0 : i32
    %mul3A_1 = arith.constant 632 : i32
    %mul3A_2 = arith.muli %arg1, %mul3A_1 : i32
    %multiple_of3A = tpu.assume_multiple %mul3A_2, 8 : i32
    %mul3A_3 = arith.constant 10112 : i32
    %mul3A_4 = arith.muli %arg0, %mul3A_3 : i32
    %mul3A_5 = arith.constant 632 : i32
    %mul3A_6 = arith.muli %arg1, %mul3A_5 : i32
    %add3A_7 = arith.addi %mul3A_4, %mul3A_6 : i32
    %multiple_of3A_8 = tpu.assume_multiple %add3A_7, 8 : i32
    %mul3A_9 = arith.constant 10000 : i32
    %mul3A_10 = arith.muli %add3A, %mul3A_9 : i32
    %multiple_of3A_11 = tpu.assume_multiple %mul3A_10, 8 : i32
    "tpu.region"() ({
      %run_scoped3A = tpu.sem_alloc : memref<!tpu.dma_semaphore, #tpu.memory_space<semaphore_mem>>
      %dma_start3A_24 = arith.constant 0 : i32
      %dma_start3A_25 = tpu.memref_slice %arg7[%multiple_of3A, %dma_start3A_24] : memref<10112x128xf32, #tpu.memory_space<vmem_shared>> -> memref<632x128xf32, #tpu.memory_space<vmem_shared>>
      tpu.enqueue_dma source(%arg3 : memref<632x128xf32, #tpu.memory_space<hbm>>) target(%dma_start3A_25 : memref<632x128xf32, #tpu.memory_space<vmem_shared>>) target_semaphore(%run_scoped3A : memref<!tpu.dma_semaphore, #tpu.memory_space<semaphore_mem>>)
      %dma_wait3A_26 = arith.constant 0 : i32
      %dma_wait3A_27 = tpu.memref_slice %arg7[%multiple_of3A, %dma_wait3A_26] : memref<10112x128xf32, #tpu.memory_space<vmem_shared>> -> memref<632x128xf32, #tpu.memory_space<vmem_shared>>
      tpu.wait_dma2 semaphore(%run_scoped3A : memref<!tpu.dma_semaphore, #tpu.memory_space<semaphore_mem>>) src(%arg3 : memref<632x128xf32, #tpu.memory_space<hbm>>) dst(%dma_wait3A_27 : memref<632x128xf32, #tpu.memory_space<vmem_shared>>)
      tpu.yield
    }) : () -> ()
    "tpu.region"() ({
      %run_scoped3A = tpu.sem_alloc : memref<!tpu.dma_semaphore, #tpu.memory_space<semaphore_mem>>
      tpu.enqueue_dma source(%arg4 : memref<80x128xf32, #tpu.memory_space<hbm>>) target(%arg10 : memref<80x128xf32, #tpu.memory_space<vmem>>) target_semaphore(%run_scoped3A : memref<!tpu.dma_semaphore, #tpu.memory_space<semaphore_mem>>)
      tpu.wait_dma2 semaphore(%run_scoped3A : memref<!tpu.dma_semaphore, #tpu.memory_space<semaphore_mem>>) src(%arg4 : memref<80x128xf32, #tpu.memory_space<hbm>>) dst(%arg10 : memref<80x128xf32, #tpu.memory_space<vmem>>)
      tpu.yield
    }) : () -> ()
    %barrier3A = arith.constant 0 : index
    tpu.barrier barrier_id(%barrier3A)
    %add3A_12 = arith.constant 0 : i32
    %add3A_13 = arith.addi %multiple_of3A_11, %add3A_12 : i32
    %dma_start3A = tpu.memref_slice %arg2[%add3A_13] : memref<320000xi32, #tpu.memory_space<hbm>> -> memref<80xi32, #tpu.memory_space<hbm>>
    %dma_start3A_14 = tpu.memref_slice %arg2[%add3A_13] : memref<320000xi32, #tpu.memory_space<hbm>> -> memref<80xi32, #tpu.memory_space<hbm>>
    tpu.enqueue_dma source(%dma_start3A_14 : memref<80xi32, #tpu.memory_space<hbm>>) target(%arg8 : memref<80xi32, #tpu.memory_space<vmem>>) target_semaphore(%arg11 : memref<!tpu.dma_semaphore, #tpu.memory_space<semaphore_mem>>)
    %scan3A = arith.constant 0 : i32
    %scan3A_15 = arith.constant 0 : i32
    %scan3A_16 = arith.constant 62 : i32
    %scan3A_17 = arith.addi %scan3A_15, %scan3A_16 : i32
    %scan3A_18 = arith.constant 1 : i32
    scf.for %scan3A_24 = %scan3A_15 to %scan3A_17 step %scan3A_18  : i32 {
      %mul3A_25 = arith.constant 2 : i32
      %mul3A_26 = arith.muli %mul3A_25, %scan3A_24 : i32
      %add3A_27 = arith.constant 1 : i32
      %add3A_28 = arith.addi %mul3A_26, %add3A_27 : i32
      %mul3A_29 = arith.constant 80 : i32
      %mul3A_30 = arith.muli %add3A_28, %mul3A_29 : i32
      %add3A_31 = arith.addi %multiple_of3A_11, %mul3A_30 : i32
      %dma_start3A_32 = tpu.memref_slice %arg2[%add3A_31] : memref<320000xi32, #tpu.memory_space<hbm>> -> memref<80xi32, #tpu.memory_space<hbm>>
      %dma_start3A_33 = tpu.memref_slice %arg2[%add3A_31] : memref<320000xi32, #tpu.memory_space<hbm>> -> memref<80xi32, #tpu.memory_space<hbm>>
      tpu.enqueue_dma source(%dma_start3A_33 : memref<80xi32, #tpu.memory_space<hbm>>) target(%arg9 : memref<80xi32, #tpu.memory_space<vmem>>) target_semaphore(%arg12 : memref<!tpu.dma_semaphore, #tpu.memory_space<semaphore_mem>>)
      %mul3A_34 = arith.constant 80 : i32
      %mul3A_35 = arith.muli %mul3A_26, %mul3A_34 : i32
      %add3A_36 = arith.addi %multiple_of3A_11, %mul3A_35 : i32
      %dma_wait3A_37 = tpu.memref_slice %arg2[%add3A_36] : memref<320000xi32, #tpu.memory_space<hbm>> -> memref<80xi32, #tpu.memory_space<hbm>>
      %dma_wait3A_38 = tpu.memref_slice %arg2[%add3A_36] : memref<320000xi32, #tpu.memory_space<hbm>> -> memref<80xi32, #tpu.memory_space<hbm>>
      tpu.wait_dma2 semaphore(%arg11 : memref<!tpu.dma_semaphore, #tpu.memory_space<semaphore_mem>>) src(%dma_wait3A_38 : memref<80xi32, #tpu.memory_space<hbm>>) dst(%arg8 : memref<80xi32, #tpu.memory_space<vmem>>)
      "tpu.region"() ({
        %run_scoped3A = tpu.sem_alloc : memref<!tpu.dma_semaphore, #tpu.memory_space<semaphore_mem>>
        %dma_start3A_48 = arith.constant 0 : i32
        %dma_start3A_49 = arith.constant 0 : i32
        %dma_start3A_50 = tpu.memref_slice %arg7[%dma_start3A_48, %dma_start3A_49] : memref<10112x128xf32, #tpu.memory_space<vmem_shared>> -> memref<10112x128xf32, #tpu.memory_space<vmem_shared>>
        tpu.enqueue_indirect_dma source(%arg10 : memref<80x128xf32, #tpu.memory_space<vmem>>) target(%dma_start3A_50 : memref<10112x128xf32, #tpu.memory_space<vmem_shared>>) offsets(%arg8 : memref<80xi32, #tpu.memory_space<vmem>>) semaphore(%run_scoped3A : memref<!tpu.dma_semaphore, #tpu.memory_space<semaphore_mem>>) {add = true}
        %dma_wait3A_51 = arith.constant 0 : i32
        %dma_wait3A_52 = arith.constant 0 : i32
        %dma_wait3A_53 = tpu.memref_slice %arg7[%dma_wait3A_51, %dma_wait3A_52] : memref<10112x128xf32, #tpu.memory_space<vmem_shared>> -> memref<10112x128xf32, #tpu.memory_space<vmem_shared>>
        tpu.wait_indirect_dma semaphore(%run_scoped3A : memref<!tpu.dma_semaphore, #tpu.memory_space<semaphore_mem>>) src(%arg10 : memref<80x128xf32, #tpu.memory_space<vmem>>) dst(%dma_wait3A_53 : memref<10112x128xf32, #tpu.memory_space<vmem_shared>>)
        tpu.yield
      }) : () -> ()
      %add3A_39 = arith.constant 2 : i32
      %add3A_40 = arith.addi %mul3A_26, %add3A_39 : i32
      %mul3A_41 = arith.constant 80 : i32
      %mul3A_42 = arith.muli %add3A_40, %mul3A_41 : i32
      %add3A_43 = arith.addi %multiple_of3A_11, %mul3A_42 : i32
      %dma_start3A_44 = tpu.memref_slice %arg2[%add3A_43] : memref<320000xi32, #tpu.memory_space<hbm>> -> memref<80xi32, #tpu.memory_space<hbm>>
      %dma_start3A_45 = tpu.memref_slice %arg2[%add3A_43] : memref<320000xi32, #tpu.memory_space<hbm>> -> memref<80xi32, #tpu.memory_space<hbm>>
      tpu.enqueue_dma source(%dma_start3A_45 : memref<80xi32, #tpu.memory_space<hbm>>) target(%arg8 : memref<80xi32, #tpu.memory_space<vmem>>) target_semaphore(%arg11 : memref<!tpu.dma_semaphore, #tpu.memory_space<semaphore_mem>>)
      %dma_wait3A_46 = tpu.memref_slice %arg2[%add3A_31] : memref<320000xi32, #tpu.memory_space<hbm>> -> memref<80xi32, #tpu.memory_space<hbm>>
      %dma_wait3A_47 = tpu.memref_slice %arg2[%add3A_31] : memref<320000xi32, #tpu.memory_space<hbm>> -> memref<80xi32, #tpu.memory_space<hbm>>
      tpu.wait_dma2 semaphore(%arg12 : memref<!tpu.dma_semaphore, #tpu.memory_space<semaphore_mem>>) src(%dma_wait3A_47 : memref<80xi32, #tpu.memory_space<hbm>>) dst(%arg9 : memref<80xi32, #tpu.memory_space<vmem>>)
      "tpu.region"() ({
        %run_scoped3A = tpu.sem_alloc : memref<!tpu.dma_semaphore, #tpu.memory_space<semaphore_mem>>
        %dma_start3A_48 = arith.constant 0 : i32
        %dma_start3A_49 = arith.constant 0 : i32
        %dma_start3A_50 = tpu.memref_slice %arg7[%dma_start3A_48, %dma_start3A_49] : memref<10112x128xf32, #tpu.memory_space<vmem_shared>> -> memref<10112x128xf32, #tpu.memory_space<vmem_shared>>
        tpu.enqueue_indirect_dma source(%arg10 : memref<80x128xf32, #tpu.memory_space<vmem>>) target(%dma_start3A_50 : memref<10112x128xf32, #tpu.memory_space<vmem_shared>>) offsets(%arg9 : memref<80xi32, #tpu.memory_space<vmem>>) semaphore(%run_scoped3A : memref<!tpu.dma_semaphore, #tpu.memory_space<semaphore_mem>>) {add = true}
        %dma_wait3A_51 = arith.constant 0 : i32
        %dma_wait3A_52 = arith.constant 0 : i32
        %dma_wait3A_53 = tpu.memref_slice %arg7[%dma_wait3A_51, %dma_wait3A_52] : memref<10112x128xf32, #tpu.memory_space<vmem_shared>> -> memref<10112x128xf32, #tpu.memory_space<vmem_shared>>
        tpu.wait_indirect_dma semaphore(%run_scoped3A : memref<!tpu.dma_semaphore, #tpu.memory_space<semaphore_mem>>) src(%arg10 : memref<80x128xf32, #tpu.memory_space<vmem>>) dst(%dma_wait3A_53 : memref<10112x128xf32, #tpu.memory_space<vmem_shared>>)
        tpu.yield
      }) : () -> ()
    }
    %scan3A_19 = arith.constant 62 : i32
    %add3A_20 = arith.constant 9920 : i32
    %add3A_21 = arith.addi %multiple_of3A_11, %add3A_20 : i32
    %dma_wait3A = tpu.memref_slice %arg2[%add3A_21] : memref<320000xi32, #tpu.memory_space<hbm>> -> memref<80xi32, #tpu.memory_space<hbm>>
    %dma_wait3A_22 = tpu.memref_slice %arg2[%add3A_21] : memref<320000xi32, #tpu.memory_space<hbm>> -> memref<80xi32, #tpu.memory_space<hbm>>
    tpu.wait_dma2 semaphore(%arg11 : memref<!tpu.dma_semaphore, #tpu.memory_space<semaphore_mem>>) src(%dma_wait3A_22 : memref<80xi32, #tpu.memory_space<hbm>>) dst(%arg8 : memref<80xi32, #tpu.memory_space<vmem>>)
    "tpu.region"() ({
      %run_scoped3A = tpu.sem_alloc : memref<!tpu.dma_semaphore, #tpu.memory_space<semaphore_mem>>
      %dma_start3A_24 = arith.constant 0 : i32
      %dma_start3A_25 = arith.constant 0 : i32
      %dma_start3A_26 = tpu.memref_slice %arg7[%dma_start3A_24, %dma_start3A_25] : memref<10112x128xf32, #tpu.memory_space<vmem_shared>> -> memref<10112x128xf32, #tpu.memory_space<vmem_shared>>
      tpu.enqueue_indirect_dma source(%arg10 : memref<80x128xf32, #tpu.memory_space<vmem>>) target(%dma_start3A_26 : memref<10112x128xf32, #tpu.memory_space<vmem_shared>>) offsets(%arg8 : memref<80xi32, #tpu.memory_space<vmem>>) semaphore(%run_scoped3A : memref<!tpu.dma_semaphore, #tpu.memory_space<semaphore_mem>>) {add = true}
      %dma_wait3A_27 = arith.constant 0 : i32
      %dma_wait3A_28 = arith.constant 0 : i32
      %dma_wait3A_29 = tpu.memref_slice %arg7[%dma_wait3A_27, %dma_wait3A_28] : memref<10112x128xf32, #tpu.memory_space<vmem_shared>> -> memref<10112x128xf32, #tpu.memory_space<vmem_shared>>
      tpu.wait_indirect_dma semaphore(%run_scoped3A : memref<!tpu.dma_semaphore, #tpu.memory_space<semaphore_mem>>) src(%arg10 : memref<80x128xf32, #tpu.memory_space<vmem>>) dst(%dma_wait3A_29 : memref<10112x128xf32, #tpu.memory_space<vmem_shared>>)
      tpu.yield
    }) : () -> ()
    %barrier3A_23 = arith.constant 0 : index
    tpu.barrier barrier_id(%barrier3A_23)
    "tpu.region"() ({
      %run_scoped3A = tpu.sem_alloc : memref<!tpu.dma_semaphore, #tpu.memory_space<semaphore_mem>>
      %dma_start3A_24 = arith.constant 0 : i32
      %dma_start3A_25 = tpu.memref_slice %arg6[%multiple_of3A_8, %dma_start3A_24] : memref<20224x128xf32, #tpu.memory_space<hbm>> -> memref<632x128xf32, #tpu.memory_space<hbm>>
      %dma_start3A_26 = arith.constant 0 : i32
      %dma_start3A_27 = tpu.memref_slice %arg7[%multiple_of3A, %dma_start3A_26] : memref<10112x128xf32, #tpu.memory_space<vmem_shared>> -> memref<632x128xf32, #tpu.memory_space<vmem_shared>>
      tpu.enqueue_dma source(%dma_start3A_27 : memref<632x128xf32, #tpu.memory_space<vmem_shared>>) target(%dma_start3A_25 : memref<632x128xf32, #tpu.memory_space<hbm>>) target_semaphore(%run_scoped3A : memref<!tpu.dma_semaphore, #tpu.memory_space<semaphore_mem>>)
      %dma_wait3A_28 = arith.constant 0 : i32
      %dma_wait3A_29 = tpu.memref_slice %arg6[%multiple_of3A_8, %dma_wait3A_28] : memref<20224x128xf32, #tpu.memory_space<hbm>> -> memref<632x128xf32, #tpu.memory_space<hbm>>
      %dma_wait3A_30 = arith.constant 0 : i32
      %dma_wait3A_31 = tpu.memref_slice %arg7[%multiple_of3A, %dma_wait3A_30] : memref<10112x128xf32, #tpu.memory_space<vmem_shared>> -> memref<632x128xf32, #tpu.memory_space<vmem_shared>>
      tpu.wait_dma2 semaphore(%run_scoped3A : memref<!tpu.dma_semaphore, #tpu.memory_space<semaphore_mem>>) src(%dma_wait3A_31 : memref<632x128xf32, #tpu.memory_space<vmem_shared>>) dst(%dma_wait3A_29 : memref<632x128xf32, #tpu.memory_space<hbm>>)
      tpu.yield
    }) : () -> ()
    return
  }
}

module attributes {stable_mosaic.version = 14 : i64} {
  func.func @body(%arg0: i32, %arg1: memref<1000x128xf32, #tpu.memory_space<vmem>>, %arg2: memref<2x1000x128xf32, #tpu.memory_space<vmem>>, %arg3: memref<2x1000x128xf32, #tpu.memory_space<vmem>>, %arg4: memref<128x128xf32, #tpu.memory_space<vmem>>, %arg5: memref<128x128xf32, #tpu.memory_space<vmem>>, %arg6: memref<1x128xf32, #tpu.memory_space<vmem>>, %arg7: memref<1000x128xf32, #tpu.memory_space<vmem>>) attributes {dimension_semantics = [#tpu.dimension_semantics<arbitrary>], iteration_bounds = array<i64: 10>, scalar_prefetch = 0 : i64, scratch_operands = 0 : i64, tpu.core_type = #tpu.core_type<tc>, window_params = [{transform_indices = @transform_0, window_bounds = array<i64: 1000, 128>}, {transform_indices = @transform_1, window_bounds = array<i64: 2, 1000, 128>}, {transform_indices = @transform_2, window_bounds = array<i64: 2, 1000, 128>}, {pipeline_mode = #tpu.pipeline_mode<synchronous>, transform_indices = @transform_3, window_bounds = array<i64: 128, 128>}, {pipeline_mode = #tpu.pipeline_mode<synchronous>, transform_indices = @transform_4, window_bounds = array<i64: 128, 128>}, {pipeline_mode = #tpu.pipeline_mode<synchronous>, transform_indices = @transform_5, window_bounds = array<i64: 1, 128>}, {transform_indices = @transform_6, window_bounds = array<i64: 1000, 128>}]} {
    %get3A = arith.constant 0 : index
    %get3A_0 = arith.constant 0 : index
    %get3A_1 = vector.load %arg1[%get3A, %get3A_0] : memref<1000x128xf32, #tpu.memory_space<vmem>>, vector<1000x128xf32>
    %get3A_2 = arith.constant 0 : index
    %get3A_3 = arith.constant 0 : index
    %get3A_4 = arith.constant 0 : index
    %get3A_5 = vector.load %arg2[%get3A_2, %get3A_3, %get3A_4] : memref<2x1000x128xf32, #tpu.memory_space<vmem>>, vector<1x1000x128xf32>
    %get3A_6 = vector.shape_cast %get3A_5 : vector<1x1000x128xf32> to vector<1000x128xf32>
    %get3A_7 = arith.constant 1 : index
    %get3A_8 = arith.constant 0 : index
    %get3A_9 = arith.constant 0 : index
    %get3A_10 = vector.load %arg2[%get3A_7, %get3A_8, %get3A_9] : memref<2x1000x128xf32, #tpu.memory_space<vmem>>, vector<1x1000x128xf32>
    %get3A_11 = vector.shape_cast %get3A_10 : vector<1x1000x128xf32> to vector<1000x128xf32>
    %add3A = arith.addf %get3A_6, %get3A_11 : vector<1000x128xf32>
    %get3A_12 = arith.constant 0 : index
    %get3A_13 = arith.constant 0 : index
    %get3A_14 = arith.constant 0 : index
    %get3A_15 = vector.load %arg3[%get3A_12, %get3A_13, %get3A_14] : memref<2x1000x128xf32, #tpu.memory_space<vmem>>, vector<1x1000x1xf32>
    %get3A_16 = vector.shape_cast %get3A_15 : vector<1x1000x1xf32> to vector<1000x1xf32>
    %get3A_17 = arith.constant 1 : index
    %get3A_18 = arith.constant 0 : index
    %get3A_19 = arith.constant 0 : index
    %get3A_20 = vector.load %arg3[%get3A_17, %get3A_18, %get3A_19] : memref<2x1000x128xf32, #tpu.memory_space<vmem>>, vector<1x1000x1xf32>
    %get3A_21 = vector.shape_cast %get3A_20 : vector<1x1000x1xf32> to vector<1000x1xf32>
    %add3A_22 = arith.addf %get3A_16, %get3A_21 : vector<1000x1xf32>
    %max3A = arith.constant 1.000000e+00 : f32
    %max3A_23 = vector.broadcast %max3A : f32 to vector<1000x1xf32>
    %max3A_24 = arith.maximumf %add3A_22, %max3A_23 : vector<1000x1xf32>
    %div3A = vector.broadcast %max3A_24 : vector<1000x1xf32> to vector<1000x128xf32>
    %div3A_25 = arith.divf %add3A, %div3A : vector<1000x128xf32>
    %gt3A = arith.constant 0.000000e+00 : f32
    %gt3A_26 = vector.broadcast %gt3A : f32 to vector<1000x1xf32>
    %gt3A_27 = arith.cmpf ogt, %add3A_22, %gt3A_26 : vector<1000x1xf32>
    %broadcast_in_dim3A = vector.shape_cast %gt3A_27 : vector<1000x1xi1> to vector<1000x1xi1>
    %broadcast_in_dim3A_28 = vector.broadcast %broadcast_in_dim3A : vector<1000x1xi1> to vector<1000x128xi1>
    %select_n3A = arith.select %broadcast_in_dim3A_28, %div3A_25, %get3A_1 : vector<1000x128xi1>, vector<1000x128xf32>
    %get3A_29 = arith.constant 0 : index
    %get3A_30 = arith.constant 0 : index
    %get3A_31 = vector.load %arg4[%get3A_29, %get3A_30] : memref<128x128xf32, #tpu.memory_space<vmem>>, vector<128x128xf32>
    %dot_general3A = arith.constant dense<0.000000e+00> : vector<1000x128xf32>
    %dot_general3A_32 = tpu.matmul %get3A_1, %get3A_31, %dot_general3A {dimension_numbers = #tpu.dot_dimension_numbers<[1], [0], [0], [1], [0, 0, 1, 1], [], []>, transpose_lhs_hint = false} : vector<1000x128xf32>, vector<128x128xf32>, vector<1000x128xf32> -> vector<1000x128xf32>
    %get3A_33 = arith.constant 0 : index
    %get3A_34 = arith.constant 0 : index
    %get3A_35 = vector.load %arg5[%get3A_33, %get3A_34] : memref<128x128xf32, #tpu.memory_space<vmem>>, vector<128x128xf32>
    %dot_general3A_36 = arith.constant dense<0.000000e+00> : vector<1000x128xf32>
    %dot_general3A_37 = tpu.matmul %select_n3A, %get3A_35, %dot_general3A_36 {dimension_numbers = #tpu.dot_dimension_numbers<[1], [0], [0], [1], [0, 0, 1, 1], [], []>, transpose_lhs_hint = false} : vector<1000x128xf32>, vector<128x128xf32>, vector<1000x128xf32> -> vector<1000x128xf32>
    %add3A_38 = arith.addf %dot_general3A_32, %dot_general3A_37 : vector<1000x128xf32>
    %get3A_39 = arith.constant 0 : index
    %get3A_40 = arith.constant 0 : index
    %get3A_41 = vector.load %arg6[%get3A_39, %get3A_40] : memref<1x128xf32, #tpu.memory_space<vmem>>, vector<1x128xf32>
    %add3A_42 = vector.broadcast %get3A_41 : vector<1x128xf32> to vector<1000x128xf32>
    %add3A_43 = arith.addf %add3A_38, %add3A_42 : vector<1000x128xf32>
    %max3A_44 = arith.constant 0.000000e+00 : f32
    %max3A_45 = vector.broadcast %max3A_44 : f32 to vector<1000x128xf32>
    %max3A_46 = arith.maximumf %add3A_43, %max3A_45 : vector<1000x128xf32>
    %swap3A = arith.constant 0 : index
    %swap3A_47 = arith.constant 0 : index
    %swap3A_48 = vector.load %arg7[%swap3A, %swap3A_47] : memref<1000x128xf32, #tpu.memory_space<vmem>>, vector<1000x128xf32>
    tpu.vector_store %arg7[%swap3A, %swap3A_47], %max3A_46 {strides = array<i32>} : memref<1000x128xf32, #tpu.memory_space<vmem>>, vector<1000x128xf32>,
    return
  }
  func.func @transform_0(%arg0: i32) -> (i32, i32) {
    %c0_i32 = arith.constant 0 : i32
    %c0_i32_0 = arith.constant 0 : i32
    return %arg0, %c0_i32 : i32, i32
  }
  func.func @transform_1(%arg0: i32) -> (i32, i32, i32) {
    %c0_i32 = arith.constant 0 : i32
    %c0_i32_0 = arith.constant 0 : i32
    %c0_i32_1 = arith.constant 0 : i32
    return %c0_i32, %arg0, %c0_i32_0 : i32, i32, i32
  }
  func.func @transform_2(%arg0: i32) -> (i32, i32, i32) {
    %c0_i32 = arith.constant 0 : i32
    %c0_i32_0 = arith.constant 0 : i32
    %c0_i32_1 = arith.constant 0 : i32
    return %c0_i32, %arg0, %c0_i32_0 : i32, i32, i32
  }
  func.func @transform_3(%arg0: i32) -> (i32, i32) {
    %c0_i32 = arith.constant 0 : i32
    %c0_i32_0 = arith.constant 0 : i32
    %c0_i32_1 = arith.constant 0 : i32
    return %c0_i32, %c0_i32_0 : i32, i32
  }
  func.func @transform_4(%arg0: i32) -> (i32, i32) {
    %c0_i32 = arith.constant 0 : i32
    %c0_i32_0 = arith.constant 0 : i32
    %c0_i32_1 = arith.constant 0 : i32
    return %c0_i32, %c0_i32_0 : i32, i32
  }
  func.func @transform_5(%arg0: i32) -> (i32, i32) {
    %c0_i32 = arith.constant 0 : i32
    %c0_i32_0 = arith.constant 0 : i32
    %c0_i32_1 = arith.constant 0 : i32
    return %c0_i32, %c0_i32_0 : i32, i32
  }
  func.func @transform_6(%arg0: i32) -> (i32, i32) {
    %c0_i32 = arith.constant 0 : i32
    %c0_i32_0 = arith.constant 0 : i32
    return %arg0, %c0_i32 : i32, i32
  }
}

</mosaic_0001>

<sc_bundles>
// kernel: kernel.5.cloned.1.call-start
scs
__scs_entry_jumppad:
0x0: {  	(pc) =	sbr.rel $0x88, $3  }
0x1: {  	(tag) =	ssettag $0x0;
	lr =	simm.s32 $0x1  }
0x2: {  	[smem:$0x3F9D] =	sst lr;
	_ =	strace $0xD0000000  }
0x3: {  	_ = 	snop  }
0x4: {  	_ = 	snop  }
0x5: {  	_ = 	snop  }
0x6: {  	_ = 	snop  }
0x7: {  	_ = 	snop  }
__scs_overlays_trampoline_lowered:
0x8: {  	[smem:$0x3FAC] =	sst s0  }
0x9: {  	[smem:$0x3FAD] =	sst s1  }
0xa: {  	[smem:$0x3FAE] =	sst s2  }
0xb: {  	[smem:$0x3FAF] =	sst s3  }
0xc: {  	[smem:$0x3FB0] =	sst s4  }
0xd: {  	[smem:$0x3FB1] =	sst s5  }
0xe: {  	[smem:$0x3FB2] =	sst s6  }
0xf: {  	[smem:$0x3FB3] =	sst s7  }
0x10: {  	[smem:$0x3FB4] =	sst s8  }
0x11: {  	[smem:$0x3FB5] =	sst s9;
	s0 =	simm.s32 @!p0 $0x0  }
0x12: {  	s1 =	sld [smem:$0x3F9B];
	s0 =	simm.s32 @p0 $0x1  }
0x13: {  	[smem:$0x3FB6] =	sst s0;
	s0 =	simm.s32 @!p1 $0x0  }
0x14: {  	s2 =	sld [smem:$0x3F9A];
	s0 =	simm.s32 @p1 $0x1  }
0x15: {  	[smem:$0x3FB7] =	sst s0;
	s0 =	simm.s32 @!p2 $0x0  }
0x16: {  	s3 =	sld [smem:$0x3FDB];
	s0 =	simm.s32 @p2 $0x1  }
0x17: {  	s4 =	simm.s32 $0x1BF5;
	[smem:$0x3FB9] =	sst s0  }
0x18: {  	s0 =	sld [smem:$0x3F9C];
	_ =	swait.ge [sflag:s4], $0x0  }
0x19: {  	s7 =	sld [smem:$0x3F9D]  }
0x1a: {  	s8 =	sadd.s32 $0xFFFFE003, lr  }
0x1b: {  	s9 =	sadd.s32 $0xFFFFFEF7, lr;
	s5 =	simm.s32 $0xFFFFFFFF;
	p2 =	slt.u32 s8, $0xFFFFF086  }
0x1c: {  	p1 =	slt.u32 s9, $0xF7A;
	s5 =	simm.s32 @!p2 $0x0  }
0x1d: {  	s5 =	simm.s32 @p1 $0x1;
	p0 =	seq.s32 s7, s2  }
0x1e: {  	s7 =	smul.u32 @!p0 $0xF7A, s2;
	p2 =	seq.s32 @!p0 s5, $0x0  }
0x1f: {  	s9 =	smul.u32 $0xF7A, s1;
	s8 =	simm.s32 @!p0 $0x1BF5;
	p2 =	por !p2, p0  }
0x20: {  	[sflag:s8] =	ssyncset.s32 @!p0 $0xFFFFF086;
	s6 =	sadd.s32 @!p0 s3, s7;
	s7 =	simm.s32 @!p0 $0x108  }
0x21: {  	s3 =	sadd.s32 s3, s9;
	s6 =	sadd.s32 @!p0 $0x88, s6;
	s7 =	simm.s32 @p2 $0x1082  }
0x22: {  	[simem:s7], [sflag:s8] =	dma.local @!p0 [hbm:s6], $0xF7A  }
0x23: {  	s9 =	sor.u32 $0xD0000000, s2;
	s6 =	simm.s32 $0x108;
	_ =	swait.ge @!p0 [sflag:s8], $0x0  }
0x24: {  	s3 =	sadd.s32 $0x88, s3;
	s6 =	simm.s32 @!p1 $0x1082;
	[sflag:s4] =	ssyncset.s32 $0xFFFFF086  }
0x25: {  	[simem:s6], [sflag:s4] =	dma.local [hbm:s3], $0xF7A  }
0x26: {  	[smem:$0x3F9D] =	sst s1;
	(tag) =	ssettag s2;
	_ =	strace s9  }
0x27: {  	s1 =	sld [smem:$0x3FAD]  }
0x28: {  	s2 =	sld [smem:$0x3FAE]  }
0x29: {  	s4 =	sld [smem:$0x3FB0]  }
0x2a: {  	p0 =	seq.s32 s5, $0x0;
	s5 =	sld [smem:$0x3FB1]  }
0x2b: {  	s6 =	sld [smem:$0x3FB2]  }
0x2c: {  	s7 =	sld [smem:$0x3FB3]  }
0x2d: {  	s3 =	simm.s32 $0x108;
	s8 =	sld [smem:$0x3FB4]  }
0x2e: {  	s3 =	simm.s32 @!p0 $0x1082;
	s9 =	sld [smem:$0x3FB5]  }
0x2f: {  	lr =	sadd.s32 s0, s3;
	s0 =	sld [smem:$0x3FAC]  }
0x30: {  	s3 =	sld [smem:$0x3FAF]  }
0x31: {  	[smem:$0x3FB8] =	sst s10  }
0x32: {  	s10 =	sld [smem:$0x3FB6];
	_ =	sdelay $0x3  }
0x33: {  	p0 =	seq.s32 s10, $0x1;
	s10 =	sld [smem:$0x3FB8];
	_ =	sdelay $0x3  }
0x34: {  	[smem:$0x3FB8] =	sst s10  }
0x35: {  	s10 =	sld [smem:$0x3FB7];
	_ =	sdelay $0x3  }
0x36: {  	p1 =	seq.s32 s10, $0x1;
	s10 =	sld [smem:$0x3FB8];
	_ =	sdelay $0x3  }
0x37: {  	[smem:$0x3FB8] =	sst s10  }
0x38: {  	s10 =	sld [smem:$0x3FB9]  }
0x39: {  	_ = 	snop;
	(pc) =	sbr.ind lr, $3  }
0x3a: {  	_ = 	snop  }
0x3b: {  	_ = 	snop  }
0x3c: {  	p2 =	seq.s32 s10, $0x1;
	s10 =	sld [smem:$0x3FB8]  }
0x3d: {  	_ =	shalt  }
0x3e: {  	_ =	shalt  }
0x3f: {  	_ =	shalt  }
0x40: {  	_ =	shalt  }
0x41: {  	_ =	shalt  }
0x42: {  	_ =	shalt  }
0x43: {  	_ =	shalt  }
0x44: {  	_ =	shalt  }
0x45: {  	_ =	shalt  }
0x46: {  	_ =	shalt  }
0x47: {  	_ =	shalt  }
0x48: {  	_ =	shalt  }
0x49: {  	_ =	shalt  }
0x4a: {  	_ =	shalt  }
0x4b: {  	_ =	shalt  }
0x4c: {  	_ =	shalt  }
0x4d: {  	_ =	shalt  }
0x4e: {  	_ =	shalt  }
0x4f: {  	_ =	shalt  }
0x50: {  	_ =	shalt  }
0x51: {  	_ =	shalt  }
0x52: {  	_ =	shalt  }
0x53: {  	_ =	shalt  }
0x54: {  	_ =	shalt  }
0x55: {  	_ =	shalt  }
0x56: {  	_ =	shalt  }
0x57: {  	_ =	shalt  }
0x58: {  	_ =	shalt  }
0x59: {  	_ =	shalt  }
0x5a: {  	_ =	shalt  }
0x5b: {  	_ =	shalt  }
0x5c: {  	_ =	shalt  }
0x5d: {  	_ =	shalt  }
0x5e: {  	_ =	shalt  }
0x5f: {  	_ =	shalt  }
0x60: {  	_ =	shalt  }
0x61: {  	_ =	shalt  }
0x62: {  	_ =	shalt  }
0x63: {  	_ =	shalt  }
0x64: {  	_ =	shalt  }
0x65: {  	_ =	shalt  }
0x66: {  	_ =	shalt  }
0x67: {  	_ =	shalt  }
0x68: {  	_ =	shalt  }
0x69: {  	_ =	shalt  }
0x6a: {  	_ =	shalt  }
0x6b: {  	_ =	shalt  }
0x6c: {  	_ =	shalt  }
0x6d: {  	_ =	shalt  }
0x6e: {  	_ =	shalt  }
0x6f: {  	_ =	shalt  }
0x70: {  	_ =	shalt  }
0x71: {  	_ =	shalt  }
0x72: {  	_ =	shalt  }
0x73: {  	_ =	shalt  }
0x74: {  	_ =	shalt  }
0x75: {  	_ =	shalt  }
0x76: {  	_ =	shalt  }
0x77: {  	_ =	shalt  }
0x78: {  	_ =	shalt  }
0x79: {  	_ =	shalt  }
0x7a: {  	_ =	shalt  }
0x7b: {  	_ =	shalt  }
0x7c: {  	_ =	shalt  }
0x7d: {  	_ =	shalt  }
0x7e: {  	_ =	shalt  }
0x7f: {  	_ =	shalt  }
0x80: {  	_ =	shalt  }
0x81: {  	_ =	shalt  }
0x82: {  	_ =	shalt  }
0x83: {  	_ =	shalt  }
0x84: {  	_ =	shalt  }
0x85: {  	_ =	shalt  }
0x86: {  	_ =	shalt  }
0x87: {  	_ =	shalt  }
.Lfunc_end0:
.L_simem_size_0:
called_computation_lowered:
.L_overlay_start_0:
0x88: {  	s2 =	sld [smem:$0x3FD9]  }
0x89: {  	s3 =	sld [smem:$0x3FFE];
	_ =	sdelay $0x1  }
0x8a: {  	s1 =	srdreg.scid  }
0x8b: {  	s0 =	sand.u32 $0x1, s1  }
0x8c: {  	s17 =	sshll.u32 s0, $0xA;
	s2 =	sadd.s32 s3, s2  }
0x8d: {  	s2 =	sadd.s32 s2, s17  }
0x8e: {  	[smem:$0x3FC4] =	sst s2  }
0x8f: {  	_ = 	snop  }
0x90: {  	s2 =	sld [smem:$0x3FC9]  }
0x91: {  	s18 =	sld [smem:$0x3FD0];
	(tm) =	ssettm $0x1  }
0x92: {  	s4 =	sld [smem:$0x3FFB];
	_ =	sdelay $0x3  }
0x93: {  	_ =	strace s4  }
0x94: {  	s4 =	sld [smem:$0x3FFC];
	_ =	sdelay $0x3  }
0x95: {  	_ =	strace s4  }
0x96: {  	s4 =	sld [smem:$0x3FFD];
	_ =	sdelay $0x3  }
0x97: {  	_ =	strace s4  }
0x98: {  	_ =	strace $0x8FFFFFFF  }
0x99: {  	s19 =	sld [smem:$0x3FDB];
	_ =	sdelay $0x1  }
0x9a: {  	s5 =	simm.s32 $_scs_section_size  }
0x9b: {  	s6 =	simm.s32 $_size__tile_overlayer_lowered;
	s7 =	simm.s32 $_tile_overlayer_lowered  }
0x9c: {  	s22 =	simm.s32 $0x1BFF;
	s21 =	sshll.u32 s7, $0x1;
	s4 =	sadd.s32 s5, s19  }
0x9d: {  	s8 =	simm.s32 $0x0;
	s20 =	sshll.u32 s6, $0x1;
	s6 =	sadd.s32 s21, s4  }
0x9e: {  	[timem:s8], [sflag:s22] =	dma.local [hbm:s6], s20  }
0x9f: {  	_ =	swait.ge [sflag:s22], s20  }
0xa0: {  	s5 =	ssub.s32 $0x0, s20;
	[sflag:s22] =	ssyncset.done $0x0  }
0xa1: {  	[sflag:s22] =	ssyncadd.s32 s5;
	_ =	sdelay $0x1  }
0xa2: {  	s23 =	simm.s32 $0x1B8B  }
0xa3: {  	_ =	swait.ge [sflag:s23], $0x1  }
0xa4: {  	[sflag:s23] =	ssyncset.done $0x0  }
0xa5: {  	s25 =	simm.s32 $0x1B8E;
	s24 =	sld [smem:$0x3FFE];
	[sflag:s23] =	ssyncadd.s32 $0xFFFFFFFF  }
0xa6: {  	s26 =	simm.s32 $execute0_lowered;
	[smem:$0x3FD2] =	sst s25  }
0xa7: {  	s6 =	sshll.u32 s26, $0x1;
	_ =	strace $0x80000046;
	[dreg:$0x1] =	wrdreg $0xFFFFFFFF  }
0xa8: {  	s28 =	simm.s32 $_size_execute0_lowered;
	s4 =	sadd.s32 s4, s6;
	[dreg:$0x0] =	wrdreg $0x0  }
0xa9: {  	s6 =	sshll.u32 s28, $0x1;
	[dreg:$0x2] =	wrdreg s4  }
0xaa: {  	[dreg:$0x3] =	wrdreg s6  }
0xab: {  	[dreg:$0x4] =	wrdreg $0xC0  }
0xac: {  	_ =	task [dreg:s8], $0x5FFFF  }
0xad: {  	[dreg:$0x1] =	wrdreg $0xFFFFFFFF  }
0xae: {  	[dreg:$0x0] =	wrdreg $0x60  }
0xaf: {  	[dreg:$0x2] =	wrdreg s24  }
0xb0: {  	[dreg:$0x3] =	wrdreg s18  }
0xb1: {  	[dreg:$0x4] =	wrdreg s2  }
0xb2: {  	[dreg:$0x5] =	wrdreg $0x0  }
0xb3: {  	[dreg:$0x6] =	wrdreg $0x9  }
0xb4: {  	_ =	task.clear_ibuf [dreg:s8], $0x7FFFF;
	_ =	strace $0x90000046  }
0xb5: {  	s29 =	simm.s32 $0x9;
	_ =	strace $0x80000048  }
0xb6: {  	_ =	swait.ge [sflag:s29], $0x1  }
0xb7: {  	[sflag:s29] =	ssyncadd.s32 $0xFFFFFFFF  }
0xb8: {  	_ =	strace $0x90000048  }
0xb9: {  	_ =	sfence  }
0xba: {  	s30 =	sld [smem:$0x0];
	_ =	sdelay $0x2  }
0xbb: {  	s31 =	sshll.u32 s1, $0xD;
	s1 =	sshrl.u32 s1, $0x2  }
0xbc: {  	s3 =	sand.u32 $0x4000, s31;
	s1 =	sadd.s32 s1, s30  }
0xbd: {  	s0 =	sor.u32 s3, s0;
	s1 =	sshll.u32 s1, $0x11  }
0xbe: {  	s0 =	sor.u32 s1, s0  }
0xbf: {  	s0 =	sadd.s32 $0x8F2B, s0  }
0xc0: {  	[sflag:s0] =	ssyncadd.remote.s32 $0x1  }
0xc1: {  	_ =	sfence.sel $0xFFFF  }
0xc2: {  	[dreg:$0x0] =	wrdreg $0xFFFFFFFF;
	(pc) =	sbr.abs _section_cstart, $3  }
0xc3: {  	[dreg:$0x1] =	wrdreg $0xFFFFFFFF  }
0xc4: {  	_ =	task.clear_ibuf [dreg:s8], $0x2FFFF;
	_ =	strace $0x9FFFFFFF  }
0xc5: {  	(tm) =	ssettm $0x7FFFFFFF  }
tec
execute0_lowered:
.L_overlay_start_1:
0x0: {  	(tag) =	ssettag $0x1  }
0x1: {  	s0 =	rddreg [dreg:$0x0]  }
0x2: {  	s1 =	rddreg [dreg:$0x1]  }
0x3: {  	s2 =	rddreg [dreg:$0x2]  }
0x4: {  	s3 =	rddreg [dreg:$0x3];
	s5 =	simm.s32 $0x0  }
0x5: {  	s4 =	srdreg.scid;
	s12 =	stileid.u32;
	s28 =	simm.s32 $0x13E00  }
0x6: {  	s29 =	simm.s32 $0x13D00;
	s30 =	simm.s32 $0x13E80;
	s31 =	simm.s32 $0x1  }
0x7: {  	[smem:$0x7FF] =	sst s5;
	s6 =	sadd.s32 $0x1A00, s0;
	s7 =	smul.u32 $0x2780, s12  }
0x8: {  	s4 =	sand.u32 $0x1, s4;
	s8 =	sadd.s32 $0xB800, s0;
	s11 =	smul.u32 $0x4F000, s12  }
0x9: {  	s9 =	sshll.u32 s12, $0x1;
	s21 =	sshll.u32 s12, $0x6;
	s24 =	smul.u32 $0x4E20, s12  }
0xa: {  	s12 =	simm.s32 $0x18F00;
	s18 =	smul.u32 $0x27800, s4;
	s9 =	sor.u32 s4, s9  }
0xb: {  	_ =	strace $0x80000047;
	[dreg:$0x9] =	wrdreg s8;
	s9 =	smul.u32 $0x2710, s9  }
0xc: {  	s10 =	ssub.s32 $0x2, s4;
	s4 =	smul.u32 $0x2710, s4;
	s20 =	sshrl.u32 s11, $0x2  }
0xd: {  	s19 =	sshrl.u32 s10, $0x1;
	s8 =	sadd.s32 s20, s3;
	s22 =	sshrl.u32 s9, $0x3  }
0xe: {  	s7 =	sadd.s32 s7, s18;
	[dreg:$0xa] =	wrdreg s8;
	s23 =	sadd.s32 s6, s22  }
0xf: {  	s0 =	sadd.s32 s7, s0;
	s25 =	sadd.s32 s1, s22;
	[dreg:$0xb] =	wrdreg s23  }
0x10: {  	s7 =	ssub.s32 s10, s19;
	s0 =	sadd.s32 $0xE000, s0;
	[dreg:$0xc] =	wrdreg s25  }
0x11: {  	s26 =	sadd.s32 $0xA, s22;
	s7 =	smax.u32 s7, $0x1;
	[dreg:$0x15] =	wrdreg s0  }
0x12: {  	s4 =	sadd.s32 s4, s24;
	s13 =	sadd.s32 s6, s26;
	[dreg:$0x16] =	wrdreg s7  }
0x13: {  	s14 =	sadd.s32 $0x14, s22;
	s11 =	sadd.s32 s1, s26;
	[dreg:$0xd] =	wrdreg s13  }
0x14: {  	s9 =	sor.u32 $0x1C07, s21;
	s15 =	sadd.s32 s6, s14;
	[dreg:$0xe] =	wrdreg s11  }
0x15: {  	s16 =	sadd.s32 $0x4CE, s22;
	s17 =	sadd.s32 s1, s14;
	[dreg:$0xf] =	wrdreg s15  }
0x16: {  	s19 =	sadd.s32 $0x190, s4;
	s18 =	sadd.s32 s6, s16;
	[dreg:$0x10] =	wrdreg s17  }
0x17: {  	s10 =	sadd.s32 $0x4D8, s22;
	s20 =	sadd.s32 s1, s16;
	[dreg:$0x11] =	wrdreg s18  }
0x18: {  	s8 =	sshrl.u32 s19, $0x3;
	s21 =	sadd.s32 s6, s10;
	[dreg:$0x12] =	wrdreg s20  }
0x19: {  	s22 =	sadd.s32 s8, s1;
	s23 =	sadd.s32 $0x140, s4;
	[dreg:$0x13] =	wrdreg s21  }
0x1a: {  	s8 =	sadd.s32 s8, s6;
	s10 =	sadd.s32 s1, s10;
	[dreg:$0x5] =	wrdreg s22  }
0x1b: {  	s0 =	simm.s32 $0x50;
	s7 =	simm.s32 $0x2;
	[dreg:$0x14] =	wrdreg s10  }
0x1c: {  	s14 =	simm.s32 $0x6;
	s24 =	sshrl.u32 s23, $0x3;
	[dreg:$0x6] =	wrdreg s8  }
0x1d: {  	s22 =	sadd.s32 $0xF0, s4;
	s23 =	simm.s32 $0x7;
	s4 =	simm.s32 $0x13F00  }
0x1e: {  	s8 =	simm.s32 $0x16700;
	s10 =	simm.s32 $0x4;
	s11 =	simm.s32 $0x3  }
0x1f: {  	s13 =	simm.s32 $0x5;
	s15 =	simm.s32 $0x0;
	s25 =	sadd.s32 s24, s1  }
0x20: {  	s26 =	sadd.s32 s24, s6;
	s24 =	simm.s32 $0x13C00;
	[dreg:$0x7] =	wrdreg s25  }
0x21: {  	[dreg:$0x8] =	wrdreg s26;
	s25 =	simm.s32 $0x13D80;
	s26 =	simm.s32 $0x13C80  }
.LBB2_1:
0x22: {  	s16 =	rddreg [dreg:$0xa]  }
0x23: {  	s17 =	rddreg [dreg:$0x9];
	s16 =	sshrl.u32 s16, $0x3  }
0x24: {  	[spmem:s16], [sflag:s9] =	dma.local [hbm:s17], $0x2780  }
0x25: {  	_ =	swait.ge [sflag:s23], $0x2780  }
0x26: {  	[sflag:s23] =	ssyncset.done $0x0  }
0x27: {  	[sflag:s23] =	ssyncadd.s32 $0xFFFFD880  }
0x28: {  	[bflag:$0x0] =	sbarrier.arrive $0xFFFF  }
0x29: {  	s21 =	rddreg [dreg:$0xb]  }
0x2a: {  	[tilespmem:s24], [sflag:$0x1] =	stream.linear.gather [hbm4b:s21+s5], $0x50, $0x38;
	[tilespmem:$0x1B700] =	vst v63  }
0x2b: {  	s18 =	rddreg [dreg:$0xc]  }
0x2c: {  	[tilespmem:s25], [sflag:$0x1] =	stream.linear.gather [hbm4b:s18+s5], $0x50, $0x38;
	[tilespmem:$0x1B700] =	vst v63  }
0x2d: {  	s19 =	rddreg [dreg:$0xd]  }
0x2e: {  	[tilespmem:s26], [sflag:$0x2] =	stream.linear.gather [hbm4b:s19+s5], $0x50, $0x38;
	[tilespmem:$0x1B700] =	vst v63  }
0x2f: {  	s20 =	rddreg [dreg:$0xe]  }
0x30: {  	[tilespmem:s28], [sflag:$0x2] =	stream.linear.gather [hbm4b:s20+s5], $0x50, $0x38;
	[tilespmem:$0x1B700] =	vst v63  }
0x31: {  	s21 =	rddreg [dreg:$0xf]  }
0x32: {  	[tilespmem:s29], [sflag:$0x3] =	stream.linear.gather [hbm4b:s21+s5], $0x50, $0x38;
	[tilespmem:$0x1B700] =	vst v63  }
0x33: {  	s18 =	rddreg [dreg:$0x10]  }
0x34: {  	[tilespmem:s30], [sflag:$0x3] =	stream.linear.gather [hbm4b:s18+s5], $0x50, $0x38;
	[tilespmem:$0x1B700] =	vst v63  }
0x35: {  	_ =	swait.ge [sflag:s31], $0x50  }
0x36: {  	[sflag:s31] =	ssyncset.done $0x0  }
0x37: {  	[sflag:s31] =	ssyncadd.s32 $0xFFFFFFB0  }
0x38: {  	_ =	swait.ge [sflag:s31], $0x50  }
0x39: {  	[sflag:s31] =	ssyncset.done $0x0  }
0x3a: {  	[sflag:s31] =	ssyncadd.s32 $0xFFFFFFB0  }
0x3b: {  	[tilespmem:s4], [sflag:$0x4] =	stream.indirect.gather [hbm4b:s2+s0], $0x80, s24, s0, $0xb8;
	[tilespmem:$0x1B700] =	vst v63  }
0x3c: {  	_ =	swait.ge [sflag:s7], $0x50  }
0x3d: {  	[sflag:s7] =	ssyncset.done $0x0  }
0x3e: {  	[sflag:s7] =	ssyncadd.s32 $0xFFFFFFB0  }
0x3f: {  	_ =	swait.ge [sflag:s7], $0x50  }
0x40: {  	[sflag:s7] =	ssyncset.done $0x0  }
0x41: {  	[sflag:s7] =	ssyncadd.s32 $0xFFFFFFB0  }
0x42: {  	[tilespmem:s8], [sflag:$0x5] =	stream.indirect.gather [hbm4b:s2+s0], $0x80, s26, s0, $0xb8;
	[tilespmem:$0x1B700] =	vst v63  }
0x43: {  	_ =	swait.ge [sflag:s10], $0x2800  }
0x44: {  	[sflag:s10] =	ssyncset.done $0x0  }
0x45: {  	[sflag:s10] =	ssyncadd.s32 $0xFFFFD800  }
0x46: {  	[spmem:s3] =	stream.indirect.scatter.add.f32 [tilespmem:s4], [sflag:$0x7], $0x80, s25, s0, $0xb8;
	[tilespmem:$0x1B700] =	vst v63  }
0x47: {  	_ =	swait.ge [sflag:s23], $0x2800  }
0x48: {  	s19 =	sshrl.u32 s22, $0x3;
	[sflag:s23] =	ssyncset.done $0x0  }
0x49: {  	s18 =	sadd.s32 s6, s19;
	[sflag:s23] =	ssyncadd.s32 $0xFFFFD800  }
0x4a: {  	[tilespmem:s24], [sflag:$0x1] =	stream.linear.gather [hbm4b:s18+s5], $0x50, $0x38;
	[tilespmem:$0x1B700] =	vst v63  }
0x4b: {  	s17 =	sadd.s32 s1, s19  }
0x4c: {  	[tilespmem:s25], [sflag:$0x1] =	stream.linear.gather [hbm4b:s17+s5], $0x50, $0x38;
	[tilespmem:$0x1B700] =	vst v63  }
0x4d: {  	_ =	swait.ge [sflag:s11], $0x50  }
0x4e: {  	[sflag:s11] =	ssyncset.done $0x0  }
0x4f: {  	[sflag:s11] =	ssyncadd.s32 $0xFFFFFFB0  }
0x50: {  	_ =	swait.ge [sflag:s11], $0x50  }
0x51: {  	[sflag:s11] =	ssyncset.done $0x0  }
0x52: {  	[sflag:s11] =	ssyncadd.s32 $0xFFFFFFB0  }
0x53: {  	[tilespmem:s12], [sflag:$0x6] =	stream.indirect.gather [hbm4b:s2+s0], $0x80, s29, s0, $0xb8;
	[tilespmem:$0x1B700] =	vst v63  }
0x54: {  	_ =	swait.ge [sflag:s13], $0x2800  }
0x55: {  	[sflag:s13] =	ssyncset.done $0x0  }
0x56: {  	[sflag:s13] =	ssyncadd.s32 $0xFFFFD800  }
0x57: {  	[spmem:s3] =	stream.indirect.scatter.add.f32 [tilespmem:s8], [sflag:$0x7], $0x80, s28, s0, $0xb8;
	[tilespmem:$0x1B700] =	vst v63  }
0x58: {  	_ =	swait.ge [sflag:s23], $0x2800  }
0x59: {  	s20 =	rddreg [dreg:$0x8];
	[sflag:s23] =	ssyncset.done $0x0  }
0x5a: {  	s21 =	rddreg [dreg:$0x7];
	[sflag:s23] =	ssyncadd.s32 $0xFFFFD800;
	s17 =	sadd.s32 $0x0, s20  }
0x5b: {  	[tilespmem:s26], [sflag:$0x2] =	stream.linear.gather [hbm4b:s17+s5], $0x50, $0x38;
	[tilespmem:$0x1B700] =	vst v63  }
0x5c: {  	s18 =	sadd.s32 $0x0, s21  }
0x5d: {  	[tilespmem:s28], [sflag:$0x2] =	stream.linear.gather [hbm4b:s18+s5], $0x50, $0x38;
	[tilespmem:$0x1B700] =	vst v63  }
0x5e: {  	_ =	swait.ge [sflag:s31], $0x50  }
0x5f: {  	[sflag:s31] =	ssyncset.done $0x0  }
0x60: {  	[sflag:s31] =	ssyncadd.s32 $0xFFFFFFB0  }
0x61: {  	_ =	swait.ge [sflag:s31], $0x50  }
0x62: {  	[sflag:s31] =	ssyncset.done $0x0  }
0x63: {  	[sflag:s31] =	ssyncadd.s32 $0xFFFFFFB0  }
0x64: {  	[tilespmem:s4], [sflag:$0x4] =	stream.indirect.gather [hbm4b:s2+s0], $0x80, s24, s0, $0xb8;
	[tilespmem:$0x1B700] =	vst v63  }
0x65: {  	_ =	swait.ge [sflag:s14], $0x2800  }
0x66: {  	[sflag:s14] =	ssyncset.done $0x0  }
0x67: {  	[sflag:s14] =	ssyncadd.s32 $0xFFFFD800  }
0x68: {  	[spmem:s3] =	stream.indirect.scatter.add.f32 [tilespmem:s12], [sflag:$0x7], $0x80, s30, s0, $0xb8;
	[tilespmem:$0x1B700] =	vst v63  }
0x69: {  	_ =	swait.ge [sflag:s23], $0x2800  }
0x6a: {  	s19 =	rddreg [dreg:$0x6];
	[sflag:s23] =	ssyncset.done $0x0  }
0x6b: {  	s20 =	rddreg [dreg:$0x5];
	[sflag:s23] =	ssyncadd.s32 $0xFFFFD800;
	s17 =	sadd.s32 $0x0, s19  }
0x6c: {  	[tilespmem:s29], [sflag:$0x3] =	stream.linear.gather [hbm4b:s17+s5], $0x50, $0x38;
	[tilespmem:$0x1B700] =	vst v63  }
0x6d: {  	s21 =	sadd.s32 $0x0, s20  }
0x6e: {  	[tilespmem:s30], [sflag:$0x3] =	stream.linear.gather [hbm4b:s21+s5], $0x50, $0x38;
	[tilespmem:$0x1B700] =	vst v63  }
0x6f: {  	_ =	swait.ge [sflag:s7], $0x50  }
0x70: {  	[sflag:s7] =	ssyncset.done $0x0  }
0x71: {  	[sflag:s7] =	ssyncadd.s32 $0xFFFFFFB0  }
0x72: {  	_ =	swait.ge [sflag:s7], $0x50  }
0x73: {  	[sflag:s7] =	ssyncset.done $0x0  }
0x74: {  	s18 =	sadd.s32 $0xF0, s22;
	s17 =	simm.s32 $0x1E;
	[sflag:s7] =	ssyncadd.s32 $0xFFFFFFB0  }
.LBB2_2:
0x75: {  	[tilespmem:s8], [sflag:$0x5] =	stream.indirect.gather [hbm4b:s2+s0], $0x80, s26, s0, $0xb8;
	[tilespmem:$0x1B700] =	vst v63  }
0x76: {  	_ =	swait.ge [sflag:s10], $0x2800  }
0x77: {  	[sflag:s10] =	ssyncset.done $0x0  }
0x78: {  	[sflag:s10] =	ssyncadd.s32 $0xFFFFD800  }
0x79: {  	[spmem:s3] =	stream.indirect.scatter.add.f32 [tilespmem:s4], [sflag:$0x7], $0x80, s25, s0, $0xb8;
	[tilespmem:$0x1B700] =	vst v63  }
0x7a: {  	_ =	swait.ge [sflag:s23], $0x2800  }
0x7b: {  	s20 =	sshrl.u32 s18, $0x3;
	[sflag:s23] =	ssyncset.done $0x0  }
0x7c: {  	s21 =	sadd.s32 s6, s20;
	[sflag:s23] =	ssyncadd.s32 $0xFFFFD800  }
0x7d: {  	[tilespmem:s24], [sflag:$0x1] =	stream.linear.gather [hbm4b:s21+s5], $0x50, $0x38;
	[tilespmem:$0x1B700] =	vst v63  }
0x7e: {  	s20 =	sadd.s32 s1, s20  }
0x7f: {  	[tilespmem:s25], [sflag:$0x1] =	stream.linear.gather [hbm4b:s20+s5], $0x50, $0x38;
	[tilespmem:$0x1B700] =	vst v63  }
0x80: {  	_ =	swait.ge [sflag:s11], $0x50  }
0x81: {  	[sflag:s11] =	ssyncset.done $0x0  }
0x82: {  	[sflag:s11] =	ssyncadd.s32 $0xFFFFFFB0  }
0x83: {  	_ =	swait.ge [sflag:s11], $0x50  }
0x84: {  	[sflag:s11] =	ssyncset.done $0x0  }
0x85: {  	[sflag:s11] =	ssyncadd.s32 $0xFFFFFFB0  }
0x86: {  	[tilespmem:s12], [sflag:$0x6] =	stream.indirect.gather [hbm4b:s2+s0], $0x80, s29, s0, $0xb8;
	[tilespmem:$0x1B700] =	vst v63  }
0x87: {  	_ =	swait.ge [sflag:s13], $0x2800  }
0x88: {  	[sflag:s13] =	ssyncset.done $0x0  }
0x89: {  	[sflag:s13] =	ssyncadd.s32 $0xFFFFD800  }
0x8a: {  	[spmem:s3] =	stream.indirect.scatter.add.f32 [tilespmem:s8], [sflag:$0x7], $0x80, s28, s0, $0xb8;
	[tilespmem:$0x1B700] =	vst v63  }
0x8b: {  	_ =	swait.ge [sflag:s23], $0x2800  }
0x8c: {  	s19 =	smov.u32 s17;
	s20 =	rddreg [dreg:$0x8];
	[sflag:s23] =	ssyncset.done $0x0  }
0x8d: {  	s21 =	rddreg [dreg:$0x7];
	[sflag:s23] =	ssyncadd.s32 $0xFFFFD800;
	s20 =	sadd.s32 s19, s20  }
0x8e: {  	[tilespmem:s26], [sflag:$0x2] =	stream.linear.gather [hbm4b:s20+s5], $0x50, $0x38;
	[tilespmem:$0x1B700] =	vst v63  }
0x8f: {  	s21 =	sadd.s32 s19, s21  }
0x90: {  	[tilespmem:s28], [sflag:$0x2] =	stream.linear.gather [hbm4b:s21+s5], $0x50, $0x38;
	[tilespmem:$0x1B700] =	vst v63  }
0x91: {  	_ =	swait.ge [sflag:s31], $0x50  }
0x92: {  	[sflag:s31] =	ssyncset.done $0x0  }
0x93: {  	[sflag:s31] =	ssyncadd.s32 $0xFFFFFFB0  }
0x94: {  	_ =	swait.ge [sflag:s31], $0x50  }
0x95: {  	[sflag:s31] =	ssyncset.done $0x0  }
0x96: {  	[sflag:s31] =	ssyncadd.s32 $0xFFFFFFB0  }
0x97: {  	[tilespmem:s4], [sflag:$0x4] =	stream.indirect.gather [hbm4b:s2+s0], $0x80, s24, s0, $0xb8;
	[tilespmem:$0x1B700] =	vst v63  }
0x98: {  	_ =	swait.ge [sflag:s14], $0x2800  }
0x99: {  	[sflag:s14] =	ssyncset.done $0x0  }
0x9a: {  	[sflag:s14] =	ssyncadd.s32 $0xFFFFD800  }
0x9b: {  	[spmem:s3] =	stream.indirect.scatter.add.f32 [tilespmem:s12], [sflag:$0x7], $0x80, s30, s0, $0xb8;
	[tilespmem:$0x1B700] =	vst v63  }
0x9c: {  	_ =	swait.ge [sflag:s23], $0x2800  }
0x9d: {  	s20 =	rddreg [dreg:$0x6];
	[sflag:s23] =	ssyncset.done $0x0  }
0x9e: {  	s21 =	rddreg [dreg:$0x5];
	[sflag:s23] =	ssyncadd.s32 $0xFFFFD800;
	s20 =	sadd.s32 s19, s20  }
0x9f: {  	[tilespmem:s29], [sflag:$0x3] =	stream.linear.gather [hbm4b:s20+s5], $0x50, $0x38;
	[tilespmem:$0x1B700] =	vst v63  }
0xa0: {  	s19 =	sadd.s32 s19, s21  }
0xa1: {  	[tilespmem:s30], [sflag:$0x3] =	stream.linear.gather [hbm4b:s19+s5], $0x50, $0x38;
	[tilespmem:$0x1B700] =	vst v63  }
0xa2: {  	p0 =	sne.s32 s17, $0x492;
	_ =	swait.ge [sflag:s7], $0x50  }
.Ltmp0:
0xa3: {  	[sflag:s7] =	ssyncset.done $0x0;
	(pc) =	sbr.rel @p0 .LBB2_2-.Ltmp0, $4  }
0xa4: {  	[sflag:s7] =	ssyncadd.s32 $0xFFFFFFB0  }
0xa5: {  	_ =	swait.ge [sflag:s7], $0x50  }
0xa6: {  	[sflag:s7] =	ssyncset.done $0x0  }
0xa7: {  	s17 =	sadd.s32 $0x1E, s17;
	s18 =	sadd.s32 $0xF0, s18;
	[sflag:s7] =	ssyncadd.s32 $0xFFFFFFB0  }
0xa8: {  	[tilespmem:s8], [sflag:$0x5] =	stream.indirect.gather [hbm4b:s2+s0], $0x80, s26, s0, $0xb8;
	[tilespmem:$0x1B700] =	vst v63  }
0xa9: {  	_ =	swait.ge [sflag:s10], $0x2800  }
0xaa: {  	[sflag:s10] =	ssyncset.done $0x0  }
0xab: {  	[sflag:s10] =	ssyncadd.s32 $0xFFFFD800  }
0xac: {  	[spmem:s3] =	stream.indirect.scatter.add.f32 [tilespmem:s4], [sflag:$0x7], $0x80, s25, s0, $0xb8;
	[tilespmem:$0x1B700] =	vst v63  }
0xad: {  	_ =	swait.ge [sflag:s23], $0x2800  }
0xae: {  	[sflag:s23] =	ssyncset.done $0x0  }
0xaf: {  	s17 =	rddreg [dreg:$0x11];
	[sflag:s23] =	ssyncadd.s32 $0xFFFFD800  }
0xb0: {  	[tilespmem:s24], [sflag:$0x1] =	stream.linear.gather [hbm4b:s17+s5], $0x50, $0x38;
	[tilespmem:$0x1B700] =	vst v63  }
0xb1: {  	s21 =	rddreg [dreg:$0x12]  }
0xb2: {  	[tilespmem:s25], [sflag:$0x1] =	stream.linear.gather [hbm4b:s21+s5], $0x50, $0x38;
	[tilespmem:$0x1B700] =	vst v63  }
0xb3: {  	_ =	swait.ge [sflag:s11], $0x50  }
0xb4: {  	[sflag:s11] =	ssyncset.done $0x0  }
0xb5: {  	[sflag:s11] =	ssyncadd.s32 $0xFFFFFFB0  }
0xb6: {  	_ =	swait.ge [sflag:s11], $0x50  }
0xb7: {  	[sflag:s11] =	ssyncset.done $0x0  }
0xb8: {  	[sflag:s11] =	ssyncadd.s32 $0xFFFFFFB0  }
0xb9: {  	[tilespmem:s12], [sflag:$0x6] =	stream.indirect.gather [hbm4b:s2+s0], $0x80, s29, s0, $0xb8;
	[tilespmem:$0x1B700] =	vst v63  }
0xba: {  	_ =	swait.ge [sflag:s13], $0x2800  }
0xbb: {  	[sflag:s13] =	ssyncset.done $0x0  }
0xbc: {  	[sflag:s13] =	ssyncadd.s32 $0xFFFFD800  }
0xbd: {  	[spmem:s3] =	stream.indirect.scatter.add.f32 [tilespmem:s8], [sflag:$0x7], $0x80, s28, s0, $0xb8;
	[tilespmem:$0x1B700] =	vst v63  }
0xbe: {  	_ =	swait.ge [sflag:s23], $0x2800  }
0xbf: {  	[sflag:s23] =	ssyncset.done $0x0  }
0xc0: {  	s18 =	rddreg [dreg:$0x13];
	[sflag:s23] =	ssyncadd.s32 $0xFFFFD800  }
0xc1: {  	[tilespmem:s26], [sflag:$0x2] =	stream.linear.gather [hbm4b:s18+s5], $0x50, $0x38;
	[tilespmem:$0x1B700] =	vst v63  }
0xc2: {  	s19 =	rddreg [dreg:$0x14]  }
0xc3: {  	[tilespmem:s28], [sflag:$0x2] =	stream.linear.gather [hbm4b:s19+s5], $0x50, $0x38;
	[tilespmem:$0x1B700] =	vst v63  }
0xc4: {  	_ =	swait.ge [sflag:s31], $0x50  }
0xc5: {  	[sflag:s31] =	ssyncset.done $0x0  }
0xc6: {  	[sflag:s31] =	ssyncadd.s32 $0xFFFFFFB0  }
0xc7: {  	_ =	swait.ge [sflag:s31], $0x50  }
0xc8: {  	[sflag:s31] =	ssyncset.done $0x0  }
0xc9: {  	[sflag:s31] =	ssyncadd.s32 $0xFFFFFFB0  }
0xca: {  	[tilespmem:s4], [sflag:$0x4] =	stream.indirect.gather [hbm4b:s2+s0], $0x80, s24, s0, $0xb8;
	[tilespmem:$0x1B700] =	vst v63  }
0xcb: {  	_ =	swait.ge [sflag:s14], $0x2800  }
0xcc: {  	[sflag:s14] =	ssyncset.done $0x0  }
0xcd: {  	[sflag:s14] =	ssyncadd.s32 $0xFFFFD800  }
0xce: {  	[spmem:s3] =	stream.indirect.scatter.add.f32 [tilespmem:s12], [sflag:$0x7], $0x80, s30, s0, $0xb8;
	[tilespmem:$0x1B700] =	vst v63  }
0xcf: {  	_ =	swait.ge [sflag:s23], $0x2800  }
0xd0: {  	[sflag:s23] =	ssyncset.done $0x0  }
0xd1: {  	[sflag:s23] =	ssyncadd.s32 $0xFFFFD800  }
0xd2: {  	_ =	swait.ge [sflag:s7], $0x50  }
0xd3: {  	[sflag:s7] =	ssyncset.done $0x0  }
0xd4: {  	[sflag:s7] =	ssyncadd.s32 $0xFFFFFFB0  }
0xd5: {  	_ =	swait.ge [sflag:s7], $0x50  }
0xd6: {  	[sflag:s7] =	ssyncset.done $0x0  }
0xd7: {  	[sflag:s7] =	ssyncadd.s32 $0xFFFFFFB0  }
0xd8: {  	[tilespmem:s8], [sflag:$0x5] =	stream.indirect.gather [hbm4b:s2+s0], $0x80, s26, s0, $0xb8;
	[tilespmem:$0x1B700] =	vst v63  }
0xd9: {  	_ =	swait.ge [sflag:s10], $0x2800  }
0xda: {  	[sflag:s10] =	ssyncset.done $0x0  }
0xdb: {  	[sflag:s10] =	ssyncadd.s32 $0xFFFFD800  }
0xdc: {  	[spmem:s3] =	stream.indirect.scatter.add.f32 [tilespmem:s4], [sflag:$0x7], $0x80, s25, s0, $0xb8;
	[tilespmem:$0x1B700] =	vst v63  }
0xdd: {  	_ =	swait.ge [sflag:s23], $0x2800  }
0xde: {  	[sflag:s23] =	ssyncset.done $0x0  }
0xdf: {  	[sflag:s23] =	ssyncadd.s32 $0xFFFFD800  }
0xe0: {  	_ =	swait.ge [sflag:s13], $0x2800  }
0xe1: {  	[sflag:s13] =	ssyncset.done $0x0  }
0xe2: {  	[sflag:s13] =	ssyncadd.s32 $0xFFFFD800  }
0xe3: {  	[spmem:s3] =	stream.indirect.scatter.add.f32 [tilespmem:s8], [sflag:$0x7], $0x80, s28, s0, $0xb8;
	[tilespmem:$0x1B700] =	vst v63  }
0xe4: {  	_ =	swait.ge [sflag:s23], $0x2800  }
0xe5: {  	[sflag:s23] =	ssyncset.done $0x0  }
0xe6: {  	[sflag:s23] =	ssyncadd.s32 $0xFFFFD800  }
0xe7: {  	[bflag:$0x0] =	sbarrier.arrive $0xFFFF  }
0xe8: {  	s20 =	rddreg [dreg:$0x15]  }
0xe9: {  	[hbm:s20], [sflag:s9] =	dma.local [spmem:s16], $0x2780  }
0xea: {  	_ =	swait.ge [sflag:s23], $0x2780  }
0xeb: {  	s15 =	sadd.s32 $0x1, s15;
	s21 =	rddreg [dreg:$0x16]  }
0xec: {  	p0 =	sne.s32 s15, s21  }
.Ltmp1:
0xed: {  	_ = 	snop;
	(pc) =	sbr.rel @p0 .LBB2_1-.Ltmp1, $3  }
0xee: {  	_ =	sdelay $0x1  }
0xef: {  	[sflag:s23] =	ssyncset.done $0x0  }
0xf0: {  	[sflag:s23] =	ssyncadd.s32 $0xFFFFD880  }
0xf1: {  	_ =	sfence.sel $0x180000  }
0xf2: {  	[bflag:$0x0] =	sbarrier.arrive $0xFFFF  }
0xf3: {  	_ =	strace $0x90000047  }
0xf4: {  	s0 =	stileid.u32;
	[bflag:$0x2] =	sbarrier.arrive $0xFFFF  }
0xf5: {  	p0 =	sne.s32 s0, $0x0;
	s0 =	rddreg [dreg:$0x4]  }
0xf6: {  	s0 =	sadd.s32 @!p0 $0x100000, s0  }
0xf7: {  	[sflag:s0] =	ssyncadd.tile.s32 @!p0 $0x1;
	_ =	shalt  }
.Lfunc_end2:
_tile_overlayer_lowered:
.L_overlay_start_2:
0xf8: {  	(tag) =	ssettag $0x2  }
0xf9: {  	s0 =	rddreg [dreg:$0x0];
	s2 =	stileid.u32  }
0xfa: {  	s1 =	rddreg [dreg:$0x1];
	p0 =	sne.s32 s2, $0x0  }
0xfb: {  	s3 =	rddreg [dreg:$0x2];
	[bflag:$0x3] =	sbarrier.arrive $0xFFFF;
	s2 =	simm.s32 @!p0 $0x1C07  }
0xfc: {  	[timem:s3], [sflag:s2] =	dma.local @!p0 [hbm:s0], s1  }
0xfd: {  	s0 =	simm.s32 @!p0 $0x7  }
0xfe: {  	_ =	swait.ge @!p0 [sflag:s0], s1  }
0xff: {  	s1 =	ssub.s32 @!p0 $0x0, s1;
	[sflag:s0] =	ssyncset.done @!p0 $0x0  }
0x100: {  	[sflag:s0] =	ssyncadd.s32 @!p0 s1  }
0x101: {  	[bflag:$0x3] =	sbarrier.arrive $0xFFFF  }
0x102: {  	_ =	shalt  }

// kernel: kernel.8.cloned.1.call-start
scs
__scs_entry_jumppad:
0x0: {  	(pc) =	sbr.rel $0x88, $3  }
0x1: {  	(tag) =	ssettag $0x0;
	lr =	simm.s32 $0x1  }
0x2: {  	[smem:$0x3F9D] =	sst lr;
	_ =	strace $0xD0000000  }
0x3: {  	_ = 	snop  }
0x4: {  	_ = 	snop  }
0x5: {  	_ = 	snop  }
0x6: {  	_ = 	snop  }
0x7: {  	_ = 	snop  }
__scs_overlays_trampoline_lowered:
0x8: {  	[smem:$0x3FAC] =	sst s0  }
0x9: {  	[smem:$0x3FAD] =	sst s1  }
0xa: {  	[smem:$0x3FAE] =	sst s2  }
0xb: {  	[smem:$0x3FAF] =	sst s3  }
0xc: {  	[smem:$0x3FB0] =	sst s4  }
0xd: {  	[smem:$0x3FB1] =	sst s5  }
0xe: {  	[smem:$0x3FB2] =	sst s6  }
0xf: {  	[smem:$0x3FB3] =	sst s7  }
0x10: {  	[smem:$0x3FB4] =	sst s8  }
0x11: {  	[smem:$0x3FB5] =	sst s9;
	s0 =	simm.s32 @!p0 $0x0  }
0x12: {  	s1 =	sld [smem:$0x3F9B];
	s0 =	simm.s32 @p0 $0x1  }
0x13: {  	[smem:$0x3FB6] =	sst s0;
	s0 =	simm.s32 @!p1 $0x0  }
0x14: {  	s2 =	sld [smem:$0x3F9A];
	s0 =	simm.s32 @p1 $0x1  }
0x15: {  	[smem:$0x3FB7] =	sst s0;
	s0 =	simm.s32 @!p2 $0x0  }
0x16: {  	s3 =	sld [smem:$0x3FDB];
	s0 =	simm.s32 @p2 $0x1  }
0x17: {  	s4 =	simm.s32 $0x1BF5;
	[smem:$0x3FB9] =	sst s0  }
0x18: {  	s0 =	sld [smem:$0x3F9C];
	_ =	swait.ge [sflag:s4], $0x0  }
0x19: {  	s7 =	sld [smem:$0x3F9D]  }
0x1a: {  	s8 =	sadd.s32 $0xFFFFE003, lr  }
0x1b: {  	s9 =	sadd.s32 $0xFFFFFEF7, lr;
	s5 =	simm.s32 $0xFFFFFFFF;
	p2 =	slt.u32 s8, $0xFFFFF086  }
0x1c: {  	p1 =	slt.u32 s9, $0xF7A;
	s5 =	simm.s32 @!p2 $0x0  }
0x1d: {  	s5 =	simm.s32 @p1 $0x1;
	p0 =	seq.s32 s7, s2  }
0x1e: {  	s7 =	smul.u32 @!p0 $0xF7A, s2;
	p2 =	seq.s32 @!p0 s5, $0x0  }
0x1f: {  	s9 =	smul.u32 $0xF7A, s1;
	s8 =	simm.s32 @!p0 $0x1BF5;
	p2 =	por !p2, p0  }
0x20: {  	[sflag:s8] =	ssyncset.s32 @!p0 $0xFFFFF086;
	s6 =	sadd.s32 @!p0 s3, s7;
	s7 =	simm.s32 @!p0 $0x108  }
0x21: {  	s3 =	sadd.s32 s3, s9;
	s6 =	sadd.s32 @!p0 $0x88, s6;
	s7 =	simm.s32 @p2 $0x1082  }
0x22: {  	[simem:s7], [sflag:s8] =	dma.local @!p0 [hbm:s6], $0xF7A  }
0x23: {  	s9 =	sor.u32 $0xD0000000, s2;
	s6 =	simm.s32 $0x108;
	_ =	swait.ge @!p0 [sflag:s8], $0x0  }
0x24: {  	s3 =	sadd.s32 $0x88, s3;
	s6 =	simm.s32 @!p1 $0x1082;
	[sflag:s4] =	ssyncset.s32 $0xFFFFF086  }
0x25: {  	[simem:s6], [sflag:s4] =	dma.local [hbm:s3], $0xF7A  }
0x26: {  	[smem:$0x3F9D] =	sst s1;
	(tag) =	ssettag s2;
	_ =	strace s9  }
0x27: {  	s1 =	sld [smem:$0x3FAD]  }
0x28: {  	s2 =	sld [smem:$0x3FAE]  }
0x29: {  	s4 =	sld [smem:$0x3FB0]  }
0x2a: {  	p0 =	seq.s32 s5, $0x0;
	s5 =	sld [smem:$0x3FB1]  }
0x2b: {  	s6 =	sld [smem:$0x3FB2]  }
0x2c: {  	s7 =	sld [smem:$0x3FB3]  }
0x2d: {  	s3 =	simm.s32 $0x108;
	s8 =	sld [smem:$0x3FB4]  }
0x2e: {  	s3 =	simm.s32 @!p0 $0x1082;
	s9 =	sld [smem:$0x3FB5]  }
0x2f: {  	lr =	sadd.s32 s0, s3;
	s0 =	sld [smem:$0x3FAC]  }
0x30: {  	s3 =	sld [smem:$0x3FAF]  }
0x31: {  	[smem:$0x3FB8] =	sst s10  }
0x32: {  	s10 =	sld [smem:$0x3FB6];
	_ =	sdelay $0x3  }
0x33: {  	p0 =	seq.s32 s10, $0x1;
	s10 =	sld [smem:$0x3FB8];
	_ =	sdelay $0x3  }
0x34: {  	[smem:$0x3FB8] =	sst s10  }
0x35: {  	s10 =	sld [smem:$0x3FB7];
	_ =	sdelay $0x3  }
0x36: {  	p1 =	seq.s32 s10, $0x1;
	s10 =	sld [smem:$0x3FB8];
	_ =	sdelay $0x3  }
0x37: {  	[smem:$0x3FB8] =	sst s10  }
0x38: {  	s10 =	sld [smem:$0x3FB9]  }
0x39: {  	_ = 	snop;
	(pc) =	sbr.ind lr, $3  }
0x3a: {  	_ = 	snop  }
0x3b: {  	_ = 	snop  }
0x3c: {  	p2 =	seq.s32 s10, $0x1;
	s10 =	sld [smem:$0x3FB8]  }
0x3d: {  	_ =	shalt  }
0x3e: {  	_ =	shalt  }
0x3f: {  	_ =	shalt  }
0x40: {  	_ =	shalt  }
0x41: {  	_ =	shalt  }
0x42: {  	_ =	shalt  }
0x43: {  	_ =	shalt  }
0x44: {  	_ =	shalt  }
0x45: {  	_ =	shalt  }
0x46: {  	_ =	shalt  }
0x47: {  	_ =	shalt  }
0x48: {  	_ =	shalt  }
0x49: {  	_ =	shalt  }
0x4a: {  	_ =	shalt  }
0x4b: {  	_ =	shalt  }
0x4c: {  	_ =	shalt  }
0x4d: {  	_ =	shalt  }
0x4e: {  	_ =	shalt  }
0x4f: {  	_ =	shalt  }
0x50: {  	_ =	shalt  }
0x51: {  	_ =	shalt  }
0x52: {  	_ =	shalt  }
0x53: {  	_ =	shalt  }
0x54: {  	_ =	shalt  }
0x55: {  	_ =	shalt  }
0x56: {  	_ =	shalt  }
0x57: {  	_ =	shalt  }
0x58: {  	_ =	shalt  }
0x59: {  	_ =	shalt  }
0x5a: {  	_ =	shalt  }
0x5b: {  	_ =	shalt  }
0x5c: {  	_ =	shalt  }
0x5d: {  	_ =	shalt  }
0x5e: {  	_ =	shalt  }
0x5f: {  	_ =	shalt  }
0x60: {  	_ =	shalt  }
0x61: {  	_ =	shalt  }
0x62: {  	_ =	shalt  }
0x63: {  	_ =	shalt  }
0x64: {  	_ =	shalt  }
0x65: {  	_ =	shalt  }
0x66: {  	_ =	shalt  }
0x67: {  	_ =	shalt  }
0x68: {  	_ =	shalt  }
0x69: {  	_ =	shalt  }
0x6a: {  	_ =	shalt  }
0x6b: {  	_ =	shalt  }
0x6c: {  	_ =	shalt  }
0x6d: {  	_ =	shalt  }
0x6e: {  	_ =	shalt  }
0x6f: {  	_ =	shalt  }
0x70: {  	_ =	shalt  }
0x71: {  	_ =	shalt  }
0x72: {  	_ =	shalt  }
0x73: {  	_ =	shalt  }
0x74: {  	_ =	shalt  }
0x75: {  	_ =	shalt  }
0x76: {  	_ =	shalt  }
0x77: {  	_ =	shalt  }
0x78: {  	_ =	shalt  }
0x79: {  	_ =	shalt  }
0x7a: {  	_ =	shalt  }
0x7b: {  	_ =	shalt  }
0x7c: {  	_ =	shalt  }
0x7d: {  	_ =	shalt  }
0x7e: {  	_ =	shalt  }
0x7f: {  	_ =	shalt  }
0x80: {  	_ =	shalt  }
0x81: {  	_ =	shalt  }
0x82: {  	_ =	shalt  }
0x83: {  	_ =	shalt  }
0x84: {  	_ =	shalt  }
0x85: {  	_ =	shalt  }
0x86: {  	_ =	shalt  }
0x87: {  	_ =	shalt  }
.Lfunc_end0:
.L_simem_size_0:
called_computation.1_lowered:
.L_overlay_start_0:
0x88: {  	s2 =	sld [smem:$0x3FD9]  }
0x89: {  	s3 =	sld [smem:$0x3FFE];
	_ =	sdelay $0x1  }
0x8a: {  	s1 =	srdreg.scid  }
0x8b: {  	s0 =	sand.u32 $0x1, s1  }
0x8c: {  	s17 =	sshll.u32 s0, $0xA;
	s2 =	sadd.s32 s3, s2  }
0x8d: {  	s2 =	sadd.s32 s2, s17  }
0x8e: {  	[smem:$0x3FC4] =	sst s2  }
0x8f: {  	_ = 	snop  }
0x90: {  	s2 =	sld [smem:$0x3FD0];
	(tm) =	ssettm $0x1  }
0x91: {  	s18 =	sld [smem:$0x3FFB];
	_ =	sdelay $0x3  }
0x92: {  	_ =	strace s18  }
0x93: {  	s3 =	sld [smem:$0x3FFC];
	_ =	sdelay $0x3  }
0x94: {  	_ =	strace s3  }
0x95: {  	s3 =	sld [smem:$0x3FFD];
	_ =	sdelay $0x3  }
0x96: {  	_ =	strace s3  }
0x97: {  	_ =	strace $0x8FFFFFFF  }
0x98: {  	s19 =	sld [smem:$0x3FDB];
	_ =	sdelay $0x1  }
0x99: {  	s4 =	simm.s32 $_scs_section_size  }
0x9a: {  	s5 =	simm.s32 $_size__tile_overlayer_lowered;
	s6 =	simm.s32 $_tile_overlayer_lowered  }
0x9b: {  	s22 =	simm.s32 $0x1BFF;
	s21 =	sshll.u32 s6, $0x1;
	s3 =	sadd.s32 s4, s19  }
0x9c: {  	s7 =	simm.s32 $0x0;
	s20 =	sshll.u32 s5, $0x1;
	s5 =	sadd.s32 s21, s3  }
0x9d: {  	[timem:s7], [sflag:s22] =	dma.local [hbm:s5], s20  }
0x9e: {  	_ =	swait.ge [sflag:s22], s20  }
0x9f: {  	s4 =	ssub.s32 $0x0, s20;
	[sflag:s22] =	ssyncset.done $0x0  }
0xa0: {  	[sflag:s22] =	ssyncadd.s32 s4;
	_ =	sdelay $0x1  }
0xa1: {  	s23 =	simm.s32 $0x1B8B  }
0xa2: {  	_ =	swait.ge [sflag:s23], $0x1  }
0xa3: {  	[sflag:s23] =	ssyncset.done $0x0  }
0xa4: {  	s25 =	simm.s32 $0x1B8E;
	s24 =	sld [smem:$0x3FFE];
	[sflag:s23] =	ssyncadd.s32 $0xFFFFFFFF  }
0xa5: {  	s26 =	simm.s32 $execute0_lowered;
	[smem:$0x3FD2] =	sst s25  }
0xa6: {  	s5 =	sshll.u32 s26, $0x1;
	_ =	strace $0x80000049;
	[dreg:$0x1] =	wrdreg $0xFFFFFFFF  }
0xa7: {  	s28 =	simm.s32 $_size_execute0_lowered;
	s3 =	sadd.s32 s3, s5;
	[dreg:$0x0] =	wrdreg $0x0  }
0xa8: {  	s5 =	sshll.u32 s28, $0x1;
	[dreg:$0x2] =	wrdreg s3  }
0xa9: {  	[dreg:$0x3] =	wrdreg s5  }
0xaa: {  	[dreg:$0x4] =	wrdreg $0xC0  }
0xab: {  	_ =	task [dreg:s7], $0x5FFFF  }
0xac: {  	[dreg:$0x1] =	wrdreg $0xFFFFFFFF  }
0xad: {  	[dreg:$0x0] =	wrdreg $0x60  }
0xae: {  	[dreg:$0x2] =	wrdreg s2  }
0xaf: {  	[dreg:$0x3] =	wrdreg s24  }
0xb0: {  	[dreg:$0x4] =	wrdreg $0x0  }
0xb1: {  	[dreg:$0x5] =	wrdreg $0x9  }
0xb2: {  	_ =	task.clear_ibuf [dreg:s7], $0x6FFFF;
	_ =	strace $0x90000049  }
0xb3: {  	s29 =	simm.s32 $0x9;
	_ =	strace $0x8000004B  }
0xb4: {  	_ =	swait.ge [sflag:s29], $0x1  }
0xb5: {  	[sflag:s29] =	ssyncadd.s32 $0xFFFFFFFF  }
0xb6: {  	_ =	strace $0x9000004B  }
0xb7: {  	_ =	sfence  }
0xb8: {  	s30 =	sld [smem:$0x0];
	_ =	sdelay $0x2  }
0xb9: {  	s31 =	sshll.u32 s1, $0xD;
	s1 =	sshrl.u32 s1, $0x2  }
0xba: {  	s3 =	sand.u32 $0x4000, s31;
	s1 =	sadd.s32 s1, s30  }
0xbb: {  	s0 =	sor.u32 s3, s0;
	s1 =	sshll.u32 s1, $0x11  }
0xbc: {  	s0 =	sor.u32 s1, s0  }
0xbd: {  	s0 =	sadd.s32 $0x8F2B, s0  }
0xbe: {  	[sflag:s0] =	ssyncadd.remote.s32 $0x1  }
0xbf: {  	_ =	sfence.sel $0xFFFF  }
0xc0: {  	[dreg:$0x0] =	wrdreg $0xFFFFFFFF;
	(pc) =	sbr.abs _section_cstart, $3  }
0xc1: {  	[dreg:$0x1] =	wrdreg $0xFFFFFFFF  }
0xc2: {  	_ =	task.clear_ibuf [dreg:s7], $0x2FFFF;
	_ =	strace $0x9FFFFFFF  }
0xc3: {  	(tm) =	ssettm $0x7FFFFFFF  }
tec
execute0_lowered:
.L_overlay_start_1:
0x0: {  	(tag) =	ssettag $0x1  }
0x1: {  	s1 =	rddreg [dreg:$0x0]  }
0x2: {  	s7 =	rddreg [dreg:$0x1];
	s2 =	srdreg.scid  }
0x3: {  	s0 =	stileid.u32;
	s3 =	rddreg [dreg:$0x2]  }
0x4: {  	s4 =	simm.s32 $0x0;
	s15 =	simm.s32 $0x13D00;
	s16 =	simm.s32 $0x13C00  }
0x5: {  	s17 =	simm.s32 $0x13C80;
	s18 =	simm.s32 $0x1;
	s19 =	simm.s32 $0x50  }
0x6: {  	s20 =	simm.s32 $0x2;
	s21 =	simm.s32 $0x0;
	s6 =	smul.u32 $0x2780, s0  }
0x7: {  	s8 =	sand.u32 $0x1, s2;
	s2 =	rddreg [dreg:$0x3];
	s26 =	smul.u32 $0x4F000, s0  }
0x8: {  	[smem:$0x7FF] =	sst s4;
	s5 =	sadd.s32 $0xB800, s7;
	s12 =	smul.u32 $0x4E20, s0  }
0x9: {  	s11 =	sshll.u32 s0, $0x1;
	s29 =	sshll.u32 s0, $0x6;
	s9 =	smul.u32 $0x27800, s8  }
0xa: {  	s10 =	ssub.s32 $0x2, s8;
	s11 =	sor.u32 s8, s11;
	s8 =	smul.u32 $0x2710, s8  }
0xb: {  	_ =	strace $0x8000004A;
	s13 =	sshrl.u32 s10, $0x1;
	s11 =	smul.u32 $0x2710, s11  }
0xc: {  	s9 =	sadd.s32 s6, s9;
	s6 =	sadd.s32 $0x1A00, s7;
	s10 =	ssub.s32 s10, s13  }
0xd: {  	s12 =	sadd.s32 s8, s12;
	s9 =	sadd.s32 s9, s7;
	s7 =	sshrl.u32 s26, $0x2  }
0xe: {  	s30 =	sshrl.u32 s11, $0x3;
	s31 =	sadd.s32 $0x50, s12;
	s10 =	smax.u32 s10, $0x1  }
0xf: {  	s11 =	sadd.s32 $0xA0, s12;
	s28 =	sadd.s32 s7, s3;
	s7 =	sor.u32 $0x1C03, s29  }
0x10: {  	s8 =	sadd.s32 s1, s30;
	s9 =	sadd.s32 $0x5D000, s9;
	s14 =	sshrl.u32 s31, $0x3  }
0x11: {  	s12 =	sadd.s32 s14, s1;
	s13 =	sshrl.u32 s28, $0x3;
	s14 =	simm.s32 $0x3  }
.LBB2_1:
0x12: {  	[spmem:s13], [sflag:s7] =	dma.local [hbm:s5], $0x2780  }
0x13: {  	_ =	swait.ge [sflag:s14], $0x2780  }
0x14: {  	[sflag:s14] =	ssyncset.done $0x0  }
0x15: {  	[sflag:s14] =	ssyncadd.s32 $0xFFFFD880  }
0x16: {  	[tilespmem:s15], [sflag:$0x3] =	stream.linear.gather [hbm4b:s6+s4], $0x2800, $0x38;
	[tilespmem:$0x16500] =	vst v63  }
0x17: {  	_ =	swait.ge [sflag:s14], $0x2800  }
0x18: {  	[sflag:s14] =	ssyncset.done $0x0  }
0x19: {  	[sflag:s14] =	ssyncadd.s32 $0xFFFFD800  }
0x1a: {  	[bflag:$0x0] =	sbarrier.arrive $0xFFFF  }
0x1b: {  	[tilespmem:s16], [sflag:$0x1] =	stream.linear.gather [hbm4b:s8+s4], $0x50, $0x38;
	[tilespmem:$0x16500] =	vst v63  }
0x1c: {  	s22 =	sadd.s32 $0x0, s12  }
0x1d: {  	[tilespmem:s17], [sflag:$0x2] =	stream.linear.gather [hbm4b:s22+s4], $0x50, $0x38;
	[tilespmem:$0x16500] =	vst v63  }
0x1e: {  	_ =	swait.ge [sflag:s18], $0x50  }
0x1f: {  	[sflag:s18] =	ssyncset.done $0x0  }
0x20: {  	[sflag:s18] =	ssyncadd.s32 $0xFFFFFFB0  }
0x21: {  	[spmem:s3] =	stream.indirect.scatter.add.f32 [tilespmem:s15], [sflag:$0x3], $0x80, s16, s19, $0xb8;
	[tilespmem:$0x16500] =	vst v63  }
0x22: {  	_ =	swait.ge [sflag:s14], $0x2800  }
0x23: {  	s31 =	sshrl.u32 s11, $0x3;
	[sflag:s14] =	ssyncset.done $0x0  }
0x24: {  	s22 =	sadd.s32 s1, s31;
	[sflag:s14] =	ssyncadd.s32 $0xFFFFD800  }
0x25: {  	[tilespmem:s16], [sflag:$0x1] =	stream.linear.gather [hbm4b:s22+s4], $0x50, $0x38;
	[tilespmem:$0x16500] =	vst v63  }
0x26: {  	_ =	swait.ge [sflag:s20], $0x50  }
0x27: {  	[sflag:s20] =	ssyncset.done $0x0  }
0x28: {  	[sflag:s20] =	ssyncadd.s32 $0xFFFFFFB0  }
0x29: {  	[spmem:s3] =	stream.indirect.scatter.add.f32 [tilespmem:s15], [sflag:$0x3], $0x80, s17, s19, $0xb8;
	[tilespmem:$0x16500] =	vst v63  }
0x2a: {  	s23 =	simm.s32 $0x14;
	_ =	swait.ge [sflag:s14], $0x2800  }
0x2b: {  	s24 =	simm.s32 $0x28;
	s22 =	sadd.s32 $0xA0, s11;
	[sflag:s14] =	ssyncset.done $0x0  }
.LBB2_2:
0x2c: {  	s25 =	sadd.s32 s23, s12  }
0x2d: {  	[sflag:s14] =	ssyncadd.s32 $0xFFFFD800;
	s23 =	smov.u32 s24;
	s26 =	sadd.s32 $0x14, s24  }
0x2e: {  	[tilespmem:s17], [sflag:$0x2] =	stream.linear.gather [hbm4b:s25+s4], $0x50, $0x38;
	[tilespmem:$0x16500] =	vst v63  }
0x2f: {  	p0 =	sne.s32 s24, $0x4C4;
	_ =	swait.ge [sflag:s18], $0x50  }
0x30: {  	[sflag:s18] =	ssyncset.done $0x0  }
0x31: {  	[sflag:s18] =	ssyncadd.s32 $0xFFFFFFB0  }
0x32: {  	[spmem:s3] =	stream.indirect.scatter.add.f32 [tilespmem:s15], [sflag:$0x3], $0x80, s16, s19, $0xb8;
	[tilespmem:$0x16500] =	vst v63  }
0x33: {  	_ =	swait.ge [sflag:s14], $0x2800  }
0x34: {  	s24 =	sshrl.u32 s22, $0x3;
	[sflag:s14] =	ssyncset.done $0x0  }
0x35: {  	s24 =	sadd.s32 s1, s24;
	[sflag:s14] =	ssyncadd.s32 $0xFFFFD800  }
0x36: {  	[tilespmem:s16], [sflag:$0x1] =	stream.linear.gather [hbm4b:s24+s4], $0x50, $0x38;
	[tilespmem:$0x16500] =	vst v63  }
0x37: {  	_ =	swait.ge [sflag:s20], $0x50  }
.Ltmp0:
0x38: {  	[sflag:s20] =	ssyncset.done $0x0;
	(pc) =	sbr.rel @p0 .LBB2_2-.Ltmp0, $4  }
0x39: {  	[sflag:s20] =	ssyncadd.s32 $0xFFFFFFB0  }
0x3a: {  	[spmem:s3] =	stream.indirect.scatter.add.f32 [tilespmem:s15], [sflag:$0x3], $0x80, s17, s19, $0xb8;
	[tilespmem:$0x16500] =	vst v63  }
0x3b: {  	_ =	swait.ge [sflag:s14], $0x2800  }
0x3c: {  	s22 =	sadd.s32 $0xA0, s22;
	s24 =	smov.u32 s26;
	[sflag:s14] =	ssyncset.done $0x0  }
0x3d: {  	s23 =	sadd.s32 s23, s12;
	[sflag:s14] =	ssyncadd.s32 $0xFFFFD800  }
0x3e: {  	[tilespmem:s17], [sflag:$0x2] =	stream.linear.gather [hbm4b:s23+s4], $0x50, $0x38;
	[tilespmem:$0x16500] =	vst v63  }
0x3f: {  	_ =	swait.ge [sflag:s18], $0x50  }
0x40: {  	[sflag:s18] =	ssyncset.done $0x0  }
0x41: {  	[sflag:s18] =	ssyncadd.s32 $0xFFFFFFB0  }
0x42: {  	[spmem:s3] =	stream.indirect.scatter.add.f32 [tilespmem:s15], [sflag:$0x3], $0x80, s16, s19, $0xb8;
	[tilespmem:$0x16500] =	vst v63  }
0x43: {  	_ =	swait.ge [sflag:s14], $0x2800  }
0x44: {  	s22 =	sshrl.u32 s22, $0x3;
	[sflag:s14] =	ssyncset.done $0x0  }
0x45: {  	s22 =	sadd.s32 s1, s22;
	[sflag:s14] =	ssyncadd.s32 $0xFFFFD800  }
0x46: {  	[tilespmem:s16], [sflag:$0x1] =	stream.linear.gather [hbm4b:s22+s4], $0x50, $0x38;
	[tilespmem:$0x16500] =	vst v63  }
0x47: {  	_ =	swait.ge [sflag:s20], $0x50  }
0x48: {  	[sflag:s20] =	ssyncset.done $0x0  }
0x49: {  	[sflag:s20] =	ssyncadd.s32 $0xFFFFFFB0  }
0x4a: {  	[spmem:s3] =	stream.indirect.scatter.add.f32 [tilespmem:s15], [sflag:$0x3], $0x80, s17, s19, $0xb8;
	[tilespmem:$0x16500] =	vst v63  }
0x4b: {  	_ =	swait.ge [sflag:s14], $0x2800  }
0x4c: {  	[sflag:s14] =	ssyncset.done $0x0  }
0x4d: {  	[sflag:s14] =	ssyncadd.s32 $0xFFFFD800  }
0x4e: {  	_ =	swait.ge [sflag:s18], $0x50  }
0x4f: {  	[sflag:s18] =	ssyncset.done $0x0  }
0x50: {  	[sflag:s18] =	ssyncadd.s32 $0xFFFFFFB0  }
0x51: {  	[spmem:s3] =	stream.indirect.scatter.add.f32 [tilespmem:s15], [sflag:$0x3], $0x80, s16, s19, $0xb8;
	[tilespmem:$0x16500] =	vst v63  }
0x52: {  	_ =	swait.ge [sflag:s14], $0x2800  }
0x53: {  	s21 =	sadd.s32 $0x1, s21;
	[sflag:s14] =	ssyncset.done $0x0  }
0x54: {  	p0 =	sne.s32 s21, s10;
	[sflag:s14] =	ssyncadd.s32 $0xFFFFD800  }
.Ltmp1:
0x55: {  	[bflag:$0x0] =	sbarrier.arrive $0xFFFF;
	(pc) =	sbr.rel @p0 .LBB2_1-.Ltmp1, $4  }
0x56: {  	[hbm:s9], [sflag:s7] =	dma.local [spmem:s13], $0x2780  }
0x57: {  	_ =	swait.ge [sflag:s14], $0x2780  }
0x58: {  	[sflag:s14] =	ssyncset.done $0x0  }
0x59: {  	[sflag:s14] =	ssyncadd.s32 $0xFFFFD880  }
0x5a: {  	_ =	sfence.sel $0x180000  }
0x5b: {  	[bflag:$0x0] =	sbarrier.arrive $0xFFFF  }
0x5c: {  	p0 =	sne.s32 s0, $0x0;
	_ =	strace $0x9000004A  }
0x5d: {  	s0 =	sadd.s32 @!p0 $0x100000, s2;
	[bflag:$0x2] =	sbarrier.arrive $0xFFFF  }
0x5e: {  	[sflag:s0] =	ssyncadd.tile.s32 @!p0 $0x1;
	_ =	shalt  }
.Lfunc_end2:
_tile_overlayer_lowered:
.L_overlay_start_2:
0x5f: {  	(tag) =	ssettag $0x2  }
0x60: {  	s0 =	rddreg [dreg:$0x0];
	s2 =	stileid.u32  }
0x61: {  	s1 =	rddreg [dreg:$0x1];
	p0 =	sne.s32 s2, $0x0  }
0x62: {  	s3 =	rddreg [dreg:$0x2];
	[bflag:$0x3] =	sbarrier.arrive $0xFFFF;
	s2 =	simm.s32 @!p0 $0x1C03  }
0x63: {  	[timem:s3], [sflag:s2] =	dma.local @!p0 [hbm:s0], s1  }
0x64: {  	s0 =	simm.s32 @!p0 $0x3  }
0x65: {  	_ =	swait.ge @!p0 [sflag:s0], s1  }
0x66: {  	s1 =	ssub.s32 @!p0 $0x0, s1;
	[sflag:s0] =	ssyncset.done @!p0 $0x0  }
0x67: {  	[sflag:s0] =	ssyncadd.s32 @!p0 s1  }
0x68: {  	[bflag:$0x3] =	sbarrier.arrive $0xFFFF  }
0x69: {  	_ =	shalt  }

</sc_bundles>
